<compile_context>
chip_gen: v7x
topology: tpu7x:2x2x1
jax: 0.10.2.dev20260603
libtpu: 0.0.44.dev20260713+nightly
codegen_flags: <defaults>
</compile_context>

<pallas_src>
import functools

import jax
import jax.numpy as jnp
from jax import lax
from jax.experimental import pallas as pl
from jax.experimental.pallas import tpu as pltpu
from jax.experimental.pallas import tpu_sc as plsc

N = 100000
D = 128
G = 1024
CHUNK = 160
NSTREAM = CHUNK // 16
NBUF = 5
CHUNKS_BIG = 20
CHUNKS_SMALL = 19
BIG_TILES = 17

_mesh = plsc.VectorSubcoreMesh(core_axis_name="c", subcore_axis_name="s")


@functools.partial(
    pl.kernel,
    mesh=_mesh,
    out_type=jax.ShapeDtypeStruct((2 * G, D), jnp.float32),
    scratch_types=[
        pltpu.VMEM((NBUF, CHUNK, D), jnp.float32),
        pltpu.VMEM((CHUNKS_BIG * CHUNK,), jnp.int32),
        pltpu.VMEM((64, D), jnp.float32),
        pltpu.VMEM_SHARED((G, D), jnp.float32),
        *[pltpu.SemaphoreType.DMA for _ in range(2 * NBUF + 1)],
    ],
)
def _seg_pool(h_hbm, ids_hbm, out_hbm, buf, *rest):
    idbig = rest[0]
    zbuf = rest[1]
    acc = rest[2]
    semL = rest[3:3 + NBUF]
    semS = rest[3 + NBUF:3 + 2 * NBUF]
    semI = rest[3 + 2 * NBUF]

    c = lax.axis_index("c")
    s = lax.axis_index("s")
    wid = c * 16 + s

    start = jnp.where(wid < BIG_TILES, wid * (CHUNKS_BIG * CHUNK),
                      BIG_TILES * CHUNKS_BIG * CHUNK
                      + (wid - BIG_TILES) * (CHUNKS_SMALL * CHUNK))
    nchunks = jnp.where(wid < BIG_TILES, CHUNKS_BIG, CHUNKS_SMALL)

    def _start_loads(k, b):
        off = start + k * CHUNK
        pltpu.async_copy(h_hbm.at[pl.ds(off, CHUNK)], buf.at[b], semL[b])

    def _wait_loads(k, b):
        off = start + k * CHUNK
        pltpu.make_async_copy(h_hbm.at[pl.ds(off, CHUNK)], buf.at[b],
                              semL[b]).wait()

    def _drain_scatters(b):
        pltpu.make_async_copy(buf.at[b], acc.at[pl.ds(0, CHUNK)],
                              semS[b]).wait()

    pltpu.async_copy(ids_hbm.at[pl.ds(start, CHUNKS_SMALL * CHUNK)],
                     idbig.at[pl.ds(0, CHUNKS_SMALL * CHUNK)], semI)

    @pl.when(wid < BIG_TILES)
    def _():
        pltpu.async_copy(
            ids_hbm.at[pl.ds(start + CHUNKS_SMALL * CHUNK,
                             (CHUNKS_BIG - CHUNKS_SMALL) * CHUNK)],
            idbig.at[pl.ds(CHUNKS_SMALL * CHUNK,
                           (CHUNKS_BIG - CHUNKS_SMALL) * CHUNK)], semI)

    for k in range(NBUF - 3):
        _start_loads(k, k)

    def _zrow(r, carry):
        for j in range(D // 16):
            zbuf[r, pl.ds(j * 16, 16)] = jnp.zeros((16,), jnp.float32)
        return carry

    lax.fori_loop(0, 64, _zrow, 0)
    pltpu.sync_copy(zbuf, acc.at[pl.ds(s * 64, 64)])

    pltpu.make_async_copy(ids_hbm.at[pl.ds(start, CHUNKS_SMALL * CHUNK)],
                          idbig.at[pl.ds(0, CHUNKS_SMALL * CHUNK)],
                          semI).wait()

    @pl.when(wid < BIG_TILES)
    def _():
        pltpu.make_async_copy(
            ids_hbm.at[pl.ds(start + CHUNKS_SMALL * CHUNK,
                             (CHUNKS_BIG - CHUNKS_SMALL) * CHUNK)],
            idbig.at[pl.ds(CHUNKS_SMALL * CHUNK,
                           (CHUNKS_BIG - CHUNKS_SMALL) * CHUNK)],
            semI).wait()

    plsc.subcore_barrier()

    NSTEPS = -(-CHUNKS_BIG // NBUF)

    def _step(i, carry):
        for b in range(NBUF):
            k = NBUF * i + b
            prev = (b - 3) % NBUF

            @pl.when(k < nchunks)
            def _():
                @pl.when(jnp.logical_and(k >= 3, k + NBUF - 3 < nchunks))
                def _():
                    _drain_scatters(prev)

                @pl.when(k + NBUF - 3 < nchunks)
                def _():
                    _start_loads(k + NBUF - 3, prev)

                _wait_loads(k, b)
                for j in range(NSTREAM):
                    idx = idbig[pl.ds(k * CHUNK + j * 16, 16)]
                    pltpu.async_copy(buf.at[b, pl.ds(j * 16, 16)],
                                     acc.at[idx], semS[b], add=True)
        return carry

    lax.fori_loop(0, NSTEPS, _step, 0)

    for b in range(NBUF):
        _drain_scatters(b)

    plsc.subcore_barrier()
    pltpu.sync_copy(acc.at[pl.ds(s * 64, 64)],
                    out_hbm.at[pl.ds(c * G + s * 64, 64)])


def _mlp_body(p_ref, w1_ref, b1_ref, w2_ref, b2_ref, o_ref):
    p = p_ref[0:G, :] + p_ref[G:2 * G, :]
    hid = jnp.tanh(
        jnp.dot(p, w1_ref[...], preferred_element_type=jnp.float32)
        + b1_ref[...])
    o_ref[...] = (
        jnp.dot(hid, w2_ref[...], preferred_element_type=jnp.float32)
        + b2_ref[...])


def kernel(h, graph_ids, W1, b1, W2, b2):
    ids32 = graph_ids.astype(jnp.int32)
    partials = _seg_pool(h, ids32)
    y = pl.pallas_call(
        _mlp_body,
        out_shape=jax.ShapeDtypeStruct((G, 1), jnp.float32),
    )(partials, W1, b1.reshape(1, D), W2, b2.reshape(1, 1))
    return y

# --- scband reference (transcript-rebuilt; emitter-appended) ---
"""Pipeline reference for scband-pool-72722386255890 (READ-ONLY COPY).

The authoritative reference and input builder live on the scoring server;
editing this copy changes nothing except your own understanding.
"""

import jax, jax.numpy as jnp
import numpy as np

NUM_GRAPHS = 1024

def setup_inputs(seed: int = 0) -> dict:
    key = jax.random.key(seed)
    k1, k2, k3, k4, k5, k6 = jax.random.split(key, 6)
    N, D, OUT = 100000, 128, 1
    h = jax.random.normal(k1, (N, D), dtype=jnp.float32)
    graph_ids = jnp.sort(jax.random.randint(k2, (N,), 0, NUM_GRAPHS, dtype=jnp.int64))
    W1 = jax.random.normal(k3, (D, D), dtype=jnp.float32) * (1.0 / np.sqrt(D))
    b1 = jax.random.normal(k4, (D,), dtype=jnp.float32) * 0.01
    W2 = jax.random.normal(k5, (D, OUT), dtype=jnp.float32) * (1.0 / np.sqrt(D))
    b2 = jax.random.normal(k6, (OUT,), dtype=jnp.float32) * 0.01
    return {"h": h, "graph_ids": graph_ids, "W1": W1, "b1": b1, "W2": W2, "b2": b2}

def reference(h, graph_ids, W1, b1, W2, b2):
    # multi_update_all with copy_src + sum over edge type 'n1_in_g':
    # each node sends its feature 'h' to its graph node; reducer is sum.
    pooled = jax.ops.segment_sum(h, graph_ids, num_segments=NUM_GRAPHS)
    # apply_nodes on ntype 'g': y_hat = Linear(Tanh(Linear(pooled)))
    hid = jnp.tanh(pooled @ W1 + b1)
    y_hat = hid @ W2 + b2
    return y_hat

if __name__ == "__main__":
    import jax
    _d = setup_inputs()
    print(jax.jit(kernel)(*tuple(_d.values())))

</pallas_src>

<mosaic_0001>
#map = affine_map<(d0, d1) -> (0, 0)>
#map1 = affine_map<(d0, d1) -> (0)>
module attributes {stable_mosaic.version = 14 : i64} {
  func.func @_seg_pool(%arg0: i32, %arg1: i32, %arg2: memref<100000x128xf32, #tpu.memory_space<hbm>>, %arg3: memref<100000xi32, #tpu.memory_space<hbm>>, %arg4: memref<2048x128xf32, #tpu.memory_space<hbm>>, %arg5: memref<5x160x128xf32, #tpu.memory_space<vmem>>, %arg6: memref<3200xi32, #tpu.memory_space<vmem>>, %arg7: memref<64x128xf32, #tpu.memory_space<vmem>>, %arg8: memref<1024x128xf32, #tpu.memory_space<vmem_shared>>, %arg9: memref<!tpu.dma_semaphore, #tpu.memory_space<semaphore_mem>>, %arg10: memref<!tpu.dma_semaphore, #tpu.memory_space<semaphore_mem>>, %arg11: memref<!tpu.dma_semaphore, #tpu.memory_space<semaphore_mem>>, %arg12: memref<!tpu.dma_semaphore, #tpu.memory_space<semaphore_mem>>, %arg13: memref<!tpu.dma_semaphore, #tpu.memory_space<semaphore_mem>>, %arg14: memref<!tpu.dma_semaphore, #tpu.memory_space<semaphore_mem>>, %arg15: memref<!tpu.dma_semaphore, #tpu.memory_space<semaphore_mem>>, %arg16: memref<!tpu.dma_semaphore, #tpu.memory_space<semaphore_mem>>, %arg17: memref<!tpu.dma_semaphore, #tpu.memory_space<semaphore_mem>>, %arg18: memref<!tpu.dma_semaphore, #tpu.memory_space<semaphore_mem>>, %arg19: memref<!tpu.dma_semaphore, #tpu.memory_space<semaphore_mem>>) attributes {dimension_semantics = [#tpu.dimension_semantics<core_parallel>, #tpu.dimension_semantics<subcore_parallel>], iteration_bounds = array<i64: 2, 16>, scalar_prefetch = 0 : i64, scratch_operands = 15 : i64, tpu.core_type = #tpu.core_type<sc_vector_subcore>, window_params = [{transform_indices = #map}, {transform_indices = #map1}, {transform_indices = #map}]} {
    %mul3A = arith.constant 16 : i32
    %mul3A_0 = arith.muli %arg0, %mul3A : i32
    %add3A = arith.addi %mul3A_0, %arg1 : i32
    %lt3A = arith.constant 17 : i32
    %lt3A_1 = arith.cmpi slt, %add3A, %lt3A : i32
    %mul3A_2 = arith.constant 3200 : i32
    %mul3A_3 = arith.muli %add3A, %mul3A_2 : i32
    %sub3A = arith.constant 17 : i32
    %sub3A_4 = arith.subi %add3A, %sub3A : i32
    %mul3A_5 = arith.constant 3040 : i32
    %mul3A_6 = arith.muli %sub3A_4, %mul3A_5 : i32
    %add3A_7 = arith.constant 54400 : i32
    %add3A_8 = arith.addi %add3A_7, %mul3A_6 : i32
    %select_n3A = arith.select %lt3A_1, %mul3A_3, %add3A_8 : i32
    %lt3A_9 = arith.constant 17 : i32
    %lt3A_10 = arith.cmpi slt, %add3A, %lt3A_9 : i32
    %jit3A = arith.constant 20 : i32
    %jit3A_11 = arith.constant 19 : i32
    %select_n3A_12 = arith.select %lt3A_10, %jit3A, %jit3A_11 : i32
    %dma_start3A = arith.constant 0 : i32
    %dma_start3A_13 = tpu.memref_slice %arg6[%dma_start3A] : memref<3200xi32, #tpu.memory_space<vmem>> -> memref<3040xi32, #tpu.memory_space<vmem>>
    %dma_start3A_14 = tpu.memref_slice %arg3[%select_n3A] : memref<100000xi32, #tpu.memory_space<hbm>> -> memref<3040xi32, #tpu.memory_space<hbm>>
    %dma_start3A_15 = arith.constant 0 : i32
    %dma_start3A_16 = tpu.memref_slice %arg6[%dma_start3A_15] : memref<3200xi32, #tpu.memory_space<vmem>> -> memref<3040xi32, #tpu.memory_space<vmem>>
    %dma_start3A_17 = tpu.memref_slice %arg3[%select_n3A] : memref<100000xi32, #tpu.memory_space<hbm>> -> memref<3040xi32, #tpu.memory_space<hbm>>
    tpu.enqueue_dma source(%dma_start3A_17 : memref<3040xi32, #tpu.memory_space<hbm>>) target(%dma_start3A_16 : memref<3040xi32, #tpu.memory_space<vmem>>) target_semaphore(%arg19 : memref<!tpu.dma_semaphore, #tpu.memory_space<semaphore_mem>>)
    %lt3A_18 = arith.constant 17 : i32
    %lt3A_19 = arith.cmpi slt, %add3A, %lt3A_18 : i32
    %convert_element_type3A = arith.extui %lt3A_19 : i1 to i32
    %cond3A = arith.constant 0 : i32
    %cond3A_20 = arith.cmpi ne, %convert_element_type3A, %cond3A : i32
    scf.if %cond3A_20 {
      %add3A_157 = arith.constant 3040 : i32
      %add3A_158 = arith.addi %select_n3A, %add3A_157 : i32
      %dma_start3A_159 = arith.constant 3040 : i32
      %dma_start3A_160 = tpu.memref_slice %arg6[%dma_start3A_159] : memref<3200xi32, #tpu.memory_space<vmem>> -> memref<160xi32, #tpu.memory_space<vmem>>
      %dma_start3A_161 = tpu.memref_slice %arg3[%add3A_158] : memref<100000xi32, #tpu.memory_space<hbm>> -> memref<160xi32, #tpu.memory_space<hbm>>
      %dma_start3A_162 = arith.constant 3040 : i32
      %dma_start3A_163 = tpu.memref_slice %arg6[%dma_start3A_162] : memref<3200xi32, #tpu.memory_space<vmem>> -> memref<160xi32, #tpu.memory_space<vmem>>
      %dma_start3A_164 = tpu.memref_slice %arg3[%add3A_158] : memref<100000xi32, #tpu.memory_space<hbm>> -> memref<160xi32, #tpu.memory_space<hbm>>
      tpu.enqueue_dma source(%dma_start3A_164 : memref<160xi32, #tpu.memory_space<hbm>>) target(%dma_start3A_163 : memref<160xi32, #tpu.memory_space<vmem>>) target_semaphore(%arg19 : memref<!tpu.dma_semaphore, #tpu.memory_space<semaphore_mem>>)
    } else {
    }
    %add3A_21 = arith.constant 0 : i32
    %add3A_22 = arith.addi %select_n3A, %add3A_21 : i32
    %dma_start3A_23 = arith.constant 0 : i32
    %dma_start3A_24 = arith.constant 0 : i32
    %dma_start3A_25 = arith.constant 0 : i32
    %dma_start3A_26 = tpu.memref_slice %arg5[%dma_start3A_23, %dma_start3A_24, %dma_start3A_25] : memref<5x160x128xf32, #tpu.memory_space<vmem>> -> memref<1x160x128xf32, #tpu.memory_space<vmem>>
    %dma_start3A_27 = tpu.memref_squeeze %dma_start3A_26 : memref<1x160x128xf32, #tpu.memory_space<vmem>> -> memref<160x128xf32, #tpu.memory_space<vmem>>
    %dma_start3A_28 = arith.constant 0 : i32
    %dma_start3A_29 = tpu.memref_slice %arg2[%add3A_22, %dma_start3A_28] : memref<100000x128xf32, #tpu.memory_space<hbm>> -> memref<160x128xf32, #tpu.memory_space<hbm>>
    %dma_start3A_30 = arith.constant 0 : i32
    %dma_start3A_31 = arith.constant 0 : i32
    %dma_start3A_32 = tpu.memref_slice %arg5[%dma_start3A_23, %dma_start3A_30, %dma_start3A_31] : memref<5x160x128xf32, #tpu.memory_space<vmem>> -> memref<1x160x128xf32, #tpu.memory_space<vmem>>
    %dma_start3A_33 = tpu.memref_squeeze %dma_start3A_32 : memref<1x160x128xf32, #tpu.memory_space<vmem>> -> memref<160x128xf32, #tpu.memory_space<vmem>>
    %dma_start3A_34 = arith.constant 0 : i32
    %dma_start3A_35 = tpu.memref_slice %arg2[%add3A_22, %dma_start3A_34] : memref<100000x128xf32, #tpu.memory_space<hbm>> -> memref<160x128xf32, #tpu.memory_space<hbm>>
    tpu.enqueue_dma source(%dma_start3A_35 : memref<160x128xf32, #tpu.memory_space<hbm>>) target(%dma_start3A_33 : memref<160x128xf32, #tpu.memory_space<vmem>>) target_semaphore(%arg9 : memref<!tpu.dma_semaphore, #tpu.memory_space<semaphore_mem>>)
    %add3A_36 = arith.constant 160 : i32
    %add3A_37 = arith.addi %select_n3A, %add3A_36 : i32
    %dma_start3A_38 = arith.constant 1 : i32
    %dma_start3A_39 = arith.constant 0 : i32
    %dma_start3A_40 = arith.constant 0 : i32
    %dma_start3A_41 = tpu.memref_slice %arg5[%dma_start3A_38, %dma_start3A_39, %dma_start3A_40] : memref<5x160x128xf32, #tpu.memory_space<vmem>> -> memref<1x160x128xf32, #tpu.memory_space<vmem>>
    %dma_start3A_42 = tpu.memref_squeeze %dma_start3A_41 : memref<1x160x128xf32, #tpu.memory_space<vmem>> -> memref<160x128xf32, #tpu.memory_space<vmem>>
    %dma_start3A_43 = arith.constant 0 : i32
    %dma_start3A_44 = tpu.memref_slice %arg2[%add3A_37, %dma_start3A_43] : memref<100000x128xf32, #tpu.memory_space<hbm>> -> memref<160x128xf32, #tpu.memory_space<hbm>>
    %dma_start3A_45 = arith.constant 0 : i32
    %dma_start3A_46 = arith.constant 0 : i32
    %dma_start3A_47 = tpu.memref_slice %arg5[%dma_start3A_38, %dma_start3A_45, %dma_start3A_46] : memref<5x160x128xf32, #tpu.memory_space<vmem>> -> memref<1x160x128xf32, #tpu.memory_space<vmem>>
    %dma_start3A_48 = tpu.memref_squeeze %dma_start3A_47 : memref<1x160x128xf32, #tpu.memory_space<vmem>> -> memref<160x128xf32, #tpu.memory_space<vmem>>
    %dma_start3A_49 = arith.constant 0 : i32
    %dma_start3A_50 = tpu.memref_slice %arg2[%add3A_37, %dma_start3A_49] : memref<100000x128xf32, #tpu.memory_space<hbm>> -> memref<160x128xf32, #tpu.memory_space<hbm>>
    tpu.enqueue_dma source(%dma_start3A_50 : memref<160x128xf32, #tpu.memory_space<hbm>>) target(%dma_start3A_48 : memref<160x128xf32, #tpu.memory_space<vmem>>) target_semaphore(%arg10 : memref<!tpu.dma_semaphore, #tpu.memory_space<semaphore_mem>>)
    %scan3A = arith.constant 0 : i32
    %scan3A_51 = arith.constant 0 : i32
    %scan3A_52 = arith.constant 64 : i32
    %scan3A_53 = arith.addi %scan3A_51, %scan3A_52 : i32
    %scan3A_54 = arith.constant 1 : i32
    scf.for %scan3A_157 = %scan3A_51 to %scan3A_53 step %scan3A_54  : i32 {
      %broadcast_in_dim3A = arith.constant 0.000000e+00 : f32
      %broadcast_in_dim3A_158 = vector.broadcast %broadcast_in_dim3A : f32 to vector<16xf32>
      %swap3A = arith.index_cast %scan3A_157 : i32 to index
      %swap3A_159 = arith.constant 0 : index
      %swap3A_160 = tpu.vector_load %arg7[%swap3A, %swap3A_159] {strides = array<i32>} : memref<64x128xf32, #tpu.memory_space<vmem>>, vector<1x16xf32>,
      %swap3A_161 = vector.shape_cast %swap3A_160 : vector<1x16xf32> to vector<16xf32>
      %swap3A_162 = vector.shape_cast %broadcast_in_dim3A_158 : vector<16xf32> to vector<1x16xf32>
      tpu.vector_store %arg7[%swap3A, %swap3A_159], %swap3A_162 {strides = array<i32>} : memref<64x128xf32, #tpu.memory_space<vmem>>, vector<1x16xf32>,
      %broadcast_in_dim3A_163 = arith.constant 0.000000e+00 : f32
      %broadcast_in_dim3A_164 = vector.broadcast %broadcast_in_dim3A_163 : f32 to vector<16xf32>
      %swap3A_165 = arith.index_cast %scan3A_157 : i32 to index
      %swap3A_166 = arith.constant 16 : index
      %swap3A_167 = tpu.vector_load %arg7[%swap3A_165, %swap3A_166] {strides = array<i32>} : memref<64x128xf32, #tpu.memory_space<vmem>>, vector<1x16xf32>,
      %swap3A_168 = vector.shape_cast %swap3A_167 : vector<1x16xf32> to vector<16xf32>
      %swap3A_169 = vector.shape_cast %broadcast_in_dim3A_164 : vector<16xf32> to vector<1x16xf32>
      tpu.vector_store %arg7[%swap3A_165, %swap3A_166], %swap3A_169 {strides = array<i32>} : memref<64x128xf32, #tpu.memory_space<vmem>>, vector<1x16xf32>,
      %broadcast_in_dim3A_170 = arith.constant 0.000000e+00 : f32
      %broadcast_in_dim3A_171 = vector.broadcast %broadcast_in_dim3A_170 : f32 to vector<16xf32>
      %swap3A_172 = arith.index_cast %scan3A_157 : i32 to index
      %swap3A_173 = arith.constant 32 : index
      %swap3A_174 = tpu.vector_load %arg7[%swap3A_172, %swap3A_173] {strides = array<i32>} : memref<64x128xf32, #tpu.memory_space<vmem>>, vector<1x16xf32>,
      %swap3A_175 = vector.shape_cast %swap3A_174 : vector<1x16xf32> to vector<16xf32>
      %swap3A_176 = vector.shape_cast %broadcast_in_dim3A_171 : vector<16xf32> to vector<1x16xf32>
      tpu.vector_store %arg7[%swap3A_172, %swap3A_173], %swap3A_176 {strides = array<i32>} : memref<64x128xf32, #tpu.memory_space<vmem>>, vector<1x16xf32>,
      %broadcast_in_dim3A_177 = arith.constant 0.000000e+00 : f32
      %broadcast_in_dim3A_178 = vector.broadcast %broadcast_in_dim3A_177 : f32 to vector<16xf32>
      %swap3A_179 = arith.index_cast %scan3A_157 : i32 to index
      %swap3A_180 = arith.constant 48 : index
      %swap3A_181 = tpu.vector_load %arg7[%swap3A_179, %swap3A_180] {strides = array<i32>} : memref<64x128xf32, #tpu.memory_space<vmem>>, vector<1x16xf32>,
      %swap3A_182 = vector.shape_cast %swap3A_181 : vector<1x16xf32> to vector<16xf32>
      %swap3A_183 = vector.shape_cast %broadcast_in_dim3A_178 : vector<16xf32> to vector<1x16xf32>
      tpu.vector_store %arg7[%swap3A_179, %swap3A_180], %swap3A_183 {strides = array<i32>} : memref<64x128xf32, #tpu.memory_space<vmem>>, vector<1x16xf32>,
      %broadcast_in_dim3A_184 = arith.constant 0.000000e+00 : f32
      %broadcast_in_dim3A_185 = vector.broadcast %broadcast_in_dim3A_184 : f32 to vector<16xf32>
      %swap3A_186 = arith.index_cast %scan3A_157 : i32 to index
      %swap3A_187 = arith.constant 64 : index
      %swap3A_188 = tpu.vector_load %arg7[%swap3A_186, %swap3A_187] {strides = array<i32>} : memref<64x128xf32, #tpu.memory_space<vmem>>, vector<1x16xf32>,
      %swap3A_189 = vector.shape_cast %swap3A_188 : vector<1x16xf32> to vector<16xf32>
      %swap3A_190 = vector.shape_cast %broadcast_in_dim3A_185 : vector<16xf32> to vector<1x16xf32>
      tpu.vector_store %arg7[%swap3A_186, %swap3A_187], %swap3A_190 {strides = array<i32>} : memref<64x128xf32, #tpu.memory_space<vmem>>, vector<1x16xf32>,
      %broadcast_in_dim3A_191 = arith.constant 0.000000e+00 : f32
      %broadcast_in_dim3A_192 = vector.broadcast %broadcast_in_dim3A_191 : f32 to vector<16xf32>
      %swap3A_193 = arith.index_cast %scan3A_157 : i32 to index
      %swap3A_194 = arith.constant 80 : index
      %swap3A_195 = tpu.vector_load %arg7[%swap3A_193, %swap3A_194] {strides = array<i32>} : memref<64x128xf32, #tpu.memory_space<vmem>>, vector<1x16xf32>,
      %swap3A_196 = vector.shape_cast %swap3A_195 : vector<1x16xf32> to vector<16xf32>
      %swap3A_197 = vector.shape_cast %broadcast_in_dim3A_192 : vector<16xf32> to vector<1x16xf32>
      tpu.vector_store %arg7[%swap3A_193, %swap3A_194], %swap3A_197 {strides = array<i32>} : memref<64x128xf32, #tpu.memory_space<vmem>>, vector<1x16xf32>,
      %broadcast_in_dim3A_198 = arith.constant 0.000000e+00 : f32
      %broadcast_in_dim3A_199 = vector.broadcast %broadcast_in_dim3A_198 : f32 to vector<16xf32>
      %swap3A_200 = arith.index_cast %scan3A_157 : i32 to index
      %swap3A_201 = arith.constant 96 : index
      %swap3A_202 = tpu.vector_load %arg7[%swap3A_200, %swap3A_201] {strides = array<i32>} : memref<64x128xf32, #tpu.memory_space<vmem>>, vector<1x16xf32>,
      %swap3A_203 = vector.shape_cast %swap3A_202 : vector<1x16xf32> to vector<16xf32>
      %swap3A_204 = vector.shape_cast %broadcast_in_dim3A_199 : vector<16xf32> to vector<1x16xf32>
      tpu.vector_store %arg7[%swap3A_200, %swap3A_201], %swap3A_204 {strides = array<i32>} : memref<64x128xf32, #tpu.memory_space<vmem>>, vector<1x16xf32>,
      %broadcast_in_dim3A_205 = arith.constant 0.000000e+00 : f32
      %broadcast_in_dim3A_206 = vector.broadcast %broadcast_in_dim3A_205 : f32 to vector<16xf32>
      %swap3A_207 = arith.index_cast %scan3A_157 : i32 to index
      %swap3A_208 = arith.constant 112 : index
      %swap3A_209 = tpu.vector_load %arg7[%swap3A_207, %swap3A_208] {strides = array<i32>} : memref<64x128xf32, #tpu.memory_space<vmem>>, vector<1x16xf32>,
      %swap3A_210 = vector.shape_cast %swap3A_209 : vector<1x16xf32> to vector<16xf32>
      %swap3A_211 = vector.shape_cast %broadcast_in_dim3A_206 : vector<16xf32> to vector<1x16xf32>
      tpu.vector_store %arg7[%swap3A_207, %swap3A_208], %swap3A_211 {strides = array<i32>} : memref<64x128xf32, #tpu.memory_space<vmem>>, vector<1x16xf32>,
    }
    %scan3A_55 = arith.constant 64 : i32
    %mul3A_56 = arith.constant 64 : i32
    %mul3A_57 = arith.muli %arg1, %mul3A_56 : i32
    "tpu.region"() ({
      %run_scoped3A = tpu.sem_alloc : memref<!tpu.dma_semaphore, #tpu.memory_space<semaphore_mem>>
      %dma_start3A_157 = arith.constant 0 : i32
      %dma_start3A_158 = tpu.memref_slice %arg8[%mul3A_57, %dma_start3A_157] : memref<1024x128xf32, #tpu.memory_space<vmem_shared>> -> memref<64x128xf32, #tpu.memory_space<vmem_shared>>
      %dma_start3A_159 = arith.constant 0 : i32
      %dma_start3A_160 = tpu.memref_slice %arg8[%mul3A_57, %dma_start3A_159] : memref<1024x128xf32, #tpu.memory_space<vmem_shared>> -> memref<64x128xf32, #tpu.memory_space<vmem_shared>>
      tpu.enqueue_dma source(%arg7 : memref<64x128xf32, #tpu.memory_space<vmem>>) target(%dma_start3A_160 : memref<64x128xf32, #tpu.memory_space<vmem_shared>>) target_semaphore(%run_scoped3A : memref<!tpu.dma_semaphore, #tpu.memory_space<semaphore_mem>>)
      %dma_wait3A_161 = arith.constant 0 : i32
      %dma_wait3A_162 = tpu.memref_slice %arg8[%mul3A_57, %dma_wait3A_161] : memref<1024x128xf32, #tpu.memory_space<vmem_shared>> -> memref<64x128xf32, #tpu.memory_space<vmem_shared>>
      %dma_wait3A_163 = arith.constant 0 : i32
      %dma_wait3A_164 = tpu.memref_slice %arg8[%mul3A_57, %dma_wait3A_163] : memref<1024x128xf32, #tpu.memory_space<vmem_shared>> -> memref<64x128xf32, #tpu.memory_space<vmem_shared>>
      tpu.wait_dma2 semaphore(%run_scoped3A : memref<!tpu.dma_semaphore, #tpu.memory_space<semaphore_mem>>) src(%arg7 : memref<64x128xf32, #tpu.memory_space<vmem>>) dst(%dma_wait3A_164 : memref<64x128xf32, #tpu.memory_space<vmem_shared>>)
      tpu.yield
    }) : () -> ()
    %dma_wait3A = arith.constant 0 : i32
    %dma_wait3A_58 = tpu.memref_slice %arg6[%dma_wait3A] : memref<3200xi32, #tpu.memory_space<vmem>> -> memref<3040xi32, #tpu.memory_space<vmem>>
    %dma_wait3A_59 = tpu.memref_slice %arg3[%select_n3A] : memref<100000xi32, #tpu.memory_space<hbm>> -> memref<3040xi32, #tpu.memory_space<hbm>>
    %dma_wait3A_60 = arith.constant 0 : i32
    %dma_wait3A_61 = tpu.memref_slice %arg6[%dma_wait3A_60] : memref<3200xi32, #tpu.memory_space<vmem>> -> memref<3040xi32, #tpu.memory_space<vmem>>
    %dma_wait3A_62 = tpu.memref_slice %arg3[%select_n3A] : memref<100000xi32, #tpu.memory_space<hbm>> -> memref<3040xi32, #tpu.memory_space<hbm>>
    tpu.wait_dma2 semaphore(%arg19 : memref<!tpu.dma_semaphore, #tpu.memory_space<semaphore_mem>>) src(%dma_wait3A_62 : memref<3040xi32, #tpu.memory_space<hbm>>) dst(%dma_wait3A_61 : memref<3040xi32, #tpu.memory_space<vmem>>)
    %lt3A_63 = arith.constant 17 : i32
    %lt3A_64 = arith.cmpi slt, %add3A, %lt3A_63 : i32
    %convert_element_type3A_65 = arith.extui %lt3A_64 : i1 to i32
    %cond3A_66 = arith.constant 0 : i32
    %cond3A_67 = arith.cmpi ne, %convert_element_type3A_65, %cond3A_66 : i32
    scf.if %cond3A_67 {
      %add3A_157 = arith.constant 3040 : i32
      %add3A_158 = arith.addi %select_n3A, %add3A_157 : i32
      %dma_wait3A_159 = arith.constant 3040 : i32
      %dma_wait3A_160 = tpu.memref_slice %arg6[%dma_wait3A_159] : memref<3200xi32, #tpu.memory_space<vmem>> -> memref<160xi32, #tpu.memory_space<vmem>>
      %dma_wait3A_161 = tpu.memref_slice %arg3[%add3A_158] : memref<100000xi32, #tpu.memory_space<hbm>> -> memref<160xi32, #tpu.memory_space<hbm>>
      %dma_wait3A_162 = arith.constant 3040 : i32
      %dma_wait3A_163 = tpu.memref_slice %arg6[%dma_wait3A_162] : memref<3200xi32, #tpu.memory_space<vmem>> -> memref<160xi32, #tpu.memory_space<vmem>>
      %dma_wait3A_164 = tpu.memref_slice %arg3[%add3A_158] : memref<100000xi32, #tpu.memory_space<hbm>> -> memref<160xi32, #tpu.memory_space<hbm>>
      tpu.wait_dma2 semaphore(%arg19 : memref<!tpu.dma_semaphore, #tpu.memory_space<semaphore_mem>>) src(%dma_wait3A_164 : memref<160xi32, #tpu.memory_space<hbm>>) dst(%dma_wait3A_163 : memref<160xi32, #tpu.memory_space<vmem>>)
    } else {
    }
    %barrier3A = arith.constant 0 : index
    tpu.barrier barrier_id(%barrier3A)
    %scan3A_68 = arith.constant 0 : i32
    %scan3A_69 = arith.constant 0 : i32
    %scan3A_70 = arith.constant 4 : i32
    %scan3A_71 = arith.addi %scan3A_69, %scan3A_70 : i32
    %scan3A_72 = arith.constant 1 : i32
    scf.for %scan3A_157 = %scan3A_69 to %scan3A_71 step %scan3A_72  : i32 {
      %mul3A_158 = arith.constant 5 : i32
      %mul3A_159 = arith.muli %mul3A_158, %scan3A_157 : i32
      %add3A_160 = arith.constant 0 : i32
      %add3A_161 = arith.addi %mul3A_159, %add3A_160 : i32
      %lt3A_162 = arith.cmpi slt, %add3A_161, %select_n3A_12 : i32
      %convert_element_type3A_163 = arith.extui %lt3A_162 : i1 to i32
      %cond3A_164 = arith.constant 0 : i32
      %cond3A_165 = arith.cmpi ne, %convert_element_type3A_163, %cond3A_164 : i32
      scf.if %cond3A_165 {
        %ge3A = arith.constant 3 : i32
        %ge3A_198 = arith.cmpi sge, %add3A_161, %ge3A : i32
        %add3A_199 = arith.constant 5 : i32
        %add3A_200 = arith.addi %add3A_161, %add3A_199 : i32
        %sub3A_201 = arith.constant 3 : i32
        %sub3A_202 = arith.subi %add3A_200, %sub3A_201 : i32
        %lt3A_203 = arith.cmpi slt, %sub3A_202, %select_n3A_12 : i32
        %and3A = arith.andi %ge3A_198, %lt3A_203 : i1
        %convert_element_type3A_204 = arith.extui %and3A : i1 to i32
        %cond3A_205 = arith.constant 0 : i32
        %cond3A_206 = arith.cmpi ne, %convert_element_type3A_204, %cond3A_205 : i32
        scf.if %cond3A_206 {
          %dma_wait3A_380 = arith.constant 2 : i32
          %dma_wait3A_381 = arith.constant 0 : i32
          %dma_wait3A_382 = arith.constant 0 : i32
          %dma_wait3A_383 = tpu.memref_slice %arg5[%dma_wait3A_380, %dma_wait3A_381, %dma_wait3A_382] : memref<5x160x128xf32, #tpu.memory_space<vmem>> -> memref<1x160x128xf32, #tpu.memory_space<vmem>>
          %dma_wait3A_384 = tpu.memref_squeeze %dma_wait3A_383 : memref<1x160x128xf32, #tpu.memory_space<vmem>> -> memref<160x128xf32, #tpu.memory_space<vmem>>
          %dma_wait3A_385 = arith.constant 0 : i32
          %dma_wait3A_386 = arith.constant 0 : i32
          %dma_wait3A_387 = tpu.memref_slice %arg8[%dma_wait3A_385, %dma_wait3A_386] : memref<1024x128xf32, #tpu.memory_space<vmem_shared>> -> memref<160x128xf32, #tpu.memory_space<vmem_shared>>
          %dma_wait3A_388 = arith.constant 0 : i32
          %dma_wait3A_389 = arith.constant 0 : i32
          %dma_wait3A_390 = tpu.memref_slice %arg8[%dma_wait3A_388, %dma_wait3A_389] : memref<1024x128xf32, #tpu.memory_space<vmem_shared>> -> memref<160x128xf32, #tpu.memory_space<vmem_shared>>
          %dma_wait3A_391 = arith.constant 0 : i32
          %dma_wait3A_392 = arith.constant 0 : i32
          %dma_wait3A_393 = tpu.memref_slice %arg5[%dma_wait3A_380, %dma_wait3A_391, %dma_wait3A_392] : memref<5x160x128xf32, #tpu.memory_space<vmem>> -> memref<1x160x128xf32, #tpu.memory_space<vmem>>
          %dma_wait3A_394 = tpu.memref_squeeze %dma_wait3A_393 : memref<1x160x128xf32, #tpu.memory_space<vmem>> -> memref<160x128xf32, #tpu.memory_space<vmem>>
          tpu.wait_dma2 semaphore(%arg16 : memref<!tpu.dma_semaphore, #tpu.memory_space<semaphore_mem>>) src(%dma_wait3A_394 : memref<160x128xf32, #tpu.memory_space<vmem>>) dst(%dma_wait3A_390 : memref<160x128xf32, #tpu.memory_space<vmem_shared>>)
        } else {
        }
        %add3A_207 = arith.constant 5 : i32
        %add3A_208 = arith.addi %add3A_161, %add3A_207 : i32
        %sub3A_209 = arith.constant 3 : i32
        %sub3A_210 = arith.subi %add3A_208, %sub3A_209 : i32
        %lt3A_211 = arith.cmpi slt, %sub3A_210, %select_n3A_12 : i32
        %convert_element_type3A_212 = arith.extui %lt3A_211 : i1 to i32
        %cond3A_213 = arith.constant 0 : i32
        %cond3A_214 = arith.cmpi ne, %convert_element_type3A_212, %cond3A_213 : i32
        scf.if %cond3A_214 {
          %add3A_380 = arith.constant 5 : i32
          %add3A_381 = arith.addi %add3A_161, %add3A_380 : i32
          %sub3A_382 = arith.constant 3 : i32
          %sub3A_383 = arith.subi %add3A_381, %sub3A_382 : i32
          %mul3A_384 = arith.constant 160 : i32
          %mul3A_385 = arith.muli %sub3A_383, %mul3A_384 : i32
          %add3A_386 = arith.addi %select_n3A, %mul3A_385 : i32
          %dma_start3A_387 = arith.constant 2 : i32
          %dma_start3A_388 = arith.constant 0 : i32
          %dma_start3A_389 = arith.constant 0 : i32
          %dma_start3A_390 = tpu.memref_slice %arg5[%dma_start3A_387, %dma_start3A_388, %dma_start3A_389] : memref<5x160x128xf32, #tpu.memory_space<vmem>> -> memref<1x160x128xf32, #tpu.memory_space<vmem>>
          %dma_start3A_391 = tpu.memref_squeeze %dma_start3A_390 : memref<1x160x128xf32, #tpu.memory_space<vmem>> -> memref<160x128xf32, #tpu.memory_space<vmem>>
          %dma_start3A_392 = arith.constant 0 : i32
          %dma_start3A_393 = tpu.memref_slice %arg2[%add3A_386, %dma_start3A_392] : memref<100000x128xf32, #tpu.memory_space<hbm>> -> memref<160x128xf32, #tpu.memory_space<hbm>>
          %dma_start3A_394 = arith.constant 0 : i32
          %dma_start3A_395 = arith.constant 0 : i32
          %dma_start3A_396 = tpu.memref_slice %arg5[%dma_start3A_387, %dma_start3A_394, %dma_start3A_395] : memref<5x160x128xf32, #tpu.memory_space<vmem>> -> memref<1x160x128xf32, #tpu.memory_space<vmem>>
          %dma_start3A_397 = tpu.memref_squeeze %dma_start3A_396 : memref<1x160x128xf32, #tpu.memory_space<vmem>> -> memref<160x128xf32, #tpu.memory_space<vmem>>
          %dma_start3A_398 = arith.constant 0 : i32
          %dma_start3A_399 = tpu.memref_slice %arg2[%add3A_386, %dma_start3A_398] : memref<100000x128xf32, #tpu.memory_space<hbm>> -> memref<160x128xf32, #tpu.memory_space<hbm>>
          tpu.enqueue_dma source(%dma_start3A_399 : memref<160x128xf32, #tpu.memory_space<hbm>>) target(%dma_start3A_397 : memref<160x128xf32, #tpu.memory_space<vmem>>) target_semaphore(%arg11 : memref<!tpu.dma_semaphore, #tpu.memory_space<semaphore_mem>>)
        } else {
        }
        %mul3A_215 = arith.constant 160 : i32
        %mul3A_216 = arith.muli %add3A_161, %mul3A_215 : i32
        %add3A_217 = arith.addi %select_n3A, %mul3A_216 : i32
        %dma_wait3A_218 = arith.constant 0 : i32
        %dma_wait3A_219 = arith.constant 0 : i32
        %dma_wait3A_220 = arith.constant 0 : i32
        %dma_wait3A_221 = tpu.memref_slice %arg5[%dma_wait3A_218, %dma_wait3A_219, %dma_wait3A_220] : memref<5x160x128xf32, #tpu.memory_space<vmem>> -> memref<1x160x128xf32, #tpu.memory_space<vmem>>
        %dma_wait3A_222 = tpu.memref_squeeze %dma_wait3A_221 : memref<1x160x128xf32, #tpu.memory_space<vmem>> -> memref<160x128xf32, #tpu.memory_space<vmem>>
        %dma_wait3A_223 = arith.constant 0 : i32
        %dma_wait3A_224 = tpu.memref_slice %arg2[%add3A_217, %dma_wait3A_223] : memref<100000x128xf32, #tpu.memory_space<hbm>> -> memref<160x128xf32, #tpu.memory_space<hbm>>
        %dma_wait3A_225 = arith.constant 0 : i32
        %dma_wait3A_226 = arith.constant 0 : i32
        %dma_wait3A_227 = tpu.memref_slice %arg5[%dma_wait3A_218, %dma_wait3A_225, %dma_wait3A_226] : memref<5x160x128xf32, #tpu.memory_space<vmem>> -> memref<1x160x128xf32, #tpu.memory_space<vmem>>
        %dma_wait3A_228 = tpu.memref_squeeze %dma_wait3A_227 : memref<1x160x128xf32, #tpu.memory_space<vmem>> -> memref<160x128xf32, #tpu.memory_space<vmem>>
        %dma_wait3A_229 = arith.constant 0 : i32
        %dma_wait3A_230 = tpu.memref_slice %arg2[%add3A_217, %dma_wait3A_229] : memref<100000x128xf32, #tpu.memory_space<hbm>> -> memref<160x128xf32, #tpu.memory_space<hbm>>
        tpu.wait_dma2 semaphore(%arg9 : memref<!tpu.dma_semaphore, #tpu.memory_space<semaphore_mem>>) src(%dma_wait3A_230 : memref<160x128xf32, #tpu.memory_space<hbm>>) dst(%dma_wait3A_228 : memref<160x128xf32, #tpu.memory_space<vmem>>)
        %mul3A_231 = arith.constant 160 : i32
        %mul3A_232 = arith.muli %add3A_161, %mul3A_231 : i32
        %add3A_233 = arith.constant 0 : i32
        %add3A_234 = arith.addi %mul3A_232, %add3A_233 : i32
        %get3A = arith.index_cast %add3A_234 : i32 to index
        %get3A_235 = tpu.vector_load %arg6[%get3A] {strides = array<i32>} : memref<3200xi32, #tpu.memory_space<vmem>>, vector<16xi32>,
        %get3A_236 = vector.shape_cast %get3A_235 : vector<16xi32> to vector<16xi32>
        %dma_start3A_237 = arith.constant 0 : i32
        %dma_start3A_238 = arith.constant 0 : i32
        %dma_start3A_239 = arith.constant 0 : i32
        %dma_start3A_240 = tpu.memref_slice %arg5[%dma_start3A_237, %dma_start3A_238, %dma_start3A_239] : memref<5x160x128xf32, #tpu.memory_space<vmem>> -> memref<1x16x128xf32, #tpu.memory_space<vmem>>
        %dma_start3A_241 = tpu.memref_squeeze %dma_start3A_240 : memref<1x16x128xf32, #tpu.memory_space<vmem>> -> memref<16x128xf32, #tpu.memory_space<vmem>>
        %dma_start3A_242 = arith.constant 0 : i32
        %dma_start3A_243 = arith.constant 0 : i32
        %dma_start3A_244 = tpu.memref_slice %arg8[%dma_start3A_242, %dma_start3A_243] : memref<1024x128xf32, #tpu.memory_space<vmem_shared>> -> memref<1024x128xf32, #tpu.memory_space<vmem_shared>>
        tpu.enqueue_indirect_dma source(%dma_start3A_241 : memref<16x128xf32, #tpu.memory_space<vmem>>) target(%dma_start3A_244 : memref<1024x128xf32, #tpu.memory_space<vmem_shared>>) offsets(%get3A_236 : vector<16xi32>) semaphore(%arg14 : memref<!tpu.dma_semaphore, #tpu.memory_space<semaphore_mem>>) {add = true}
        %mul3A_245 = arith.constant 160 : i32
        %mul3A_246 = arith.muli %add3A_161, %mul3A_245 : i32
        %add3A_247 = arith.constant 16 : i32
        %add3A_248 = arith.addi %mul3A_246, %add3A_247 : i32
        %get3A_249 = arith.index_cast %add3A_248 : i32 to index
        %get3A_250 = tpu.vector_load %arg6[%get3A_249] {strides = array<i32>} : memref<3200xi32, #tpu.memory_space<vmem>>, vector<16xi32>,
        %get3A_251 = vector.shape_cast %get3A_250 : vector<16xi32> to vector<16xi32>
        %dma_start3A_252 = arith.constant 0 : i32
        %dma_start3A_253 = arith.constant 16 : i32
        %dma_start3A_254 = arith.constant 0 : i32
        %dma_start3A_255 = tpu.memref_slice %arg5[%dma_start3A_252, %dma_start3A_253, %dma_start3A_254] : memref<5x160x128xf32, #tpu.memory_space<vmem>> -> memref<1x16x128xf32, #tpu.memory_space<vmem>>
        %dma_start3A_256 = tpu.memref_squeeze %dma_start3A_255 : memref<1x16x128xf32, #tpu.memory_space<vmem>> -> memref<16x128xf32, #tpu.memory_space<vmem>>
        %dma_start3A_257 = arith.constant 0 : i32
        %dma_start3A_258 = arith.constant 0 : i32
        %dma_start3A_259 = tpu.memref_slice %arg8[%dma_start3A_257, %dma_start3A_258] : memref<1024x128xf32, #tpu.memory_space<vmem_shared>> -> memref<1024x128xf32, #tpu.memory_space<vmem_shared>>
        tpu.enqueue_indirect_dma source(%dma_start3A_256 : memref<16x128xf32, #tpu.memory_space<vmem>>) target(%dma_start3A_259 : memref<1024x128xf32, #tpu.memory_space<vmem_shared>>) offsets(%get3A_251 : vector<16xi32>) semaphore(%arg14 : memref<!tpu.dma_semaphore, #tpu.memory_space<semaphore_mem>>) {add = true}
        %mul3A_260 = arith.constant 160 : i32
        %mul3A_261 = arith.muli %add3A_161, %mul3A_260 : i32
        %add3A_262 = arith.constant 32 : i32
        %add3A_263 = arith.addi %mul3A_261, %add3A_262 : i32
        %get3A_264 = arith.index_cast %add3A_263 : i32 to index
        %get3A_265 = tpu.vector_load %arg6[%get3A_264] {strides = array<i32>} : memref<3200xi32, #tpu.memory_space<vmem>>, vector<16xi32>,
        %get3A_266 = vector.shape_cast %get3A_265 : vector<16xi32> to vector<16xi32>
        %dma_start3A_267 = arith.constant 0 : i32
        %dma_start3A_268 = arith.constant 32 : i32
        %dma_start3A_269 = arith.constant 0 : i32
        %dma_start3A_270 = tpu.memref_slice %arg5[%dma_start3A_267, %dma_start3A_268, %dma_start3A_269] : memref<5x160x128xf32, #tpu.memory_space<vmem>> -> memref<1x16x128xf32, #tpu.memory_space<vmem>>
        %dma_start3A_271 = tpu.memref_squeeze %dma_start3A_270 : memref<1x16x128xf32, #tpu.memory_space<vmem>> -> memref<16x128xf32, #tpu.memory_space<vmem>>
        %dma_start3A_272 = arith.constant 0 : i32
        %dma_start3A_273 = arith.constant 0 : i32
        %dma_start3A_274 = tpu.memref_slice %arg8[%dma_start3A_272, %dma_start3A_273] : memref<1024x128xf32, #tpu.memory_space<vmem_shared>> -> memref<1024x128xf32, #tpu.memory_space<vmem_shared>>
        tpu.enqueue_indirect_dma source(%dma_start3A_271 : memref<16x128xf32, #tpu.memory_space<vmem>>) target(%dma_start3A_274 : memref<1024x128xf32, #tpu.memory_space<vmem_shared>>) offsets(%get3A_266 : vector<16xi32>) semaphore(%arg14 : memref<!tpu.dma_semaphore, #tpu.memory_space<semaphore_mem>>) {add = true}
        %mul3A_275 = arith.constant 160 : i32
        %mul3A_276 = arith.muli %add3A_161, %mul3A_275 : i32
        %add3A_277 = arith.constant 48 : i32
        %add3A_278 = arith.addi %mul3A_276, %add3A_277 : i32
        %get3A_279 = arith.index_cast %add3A_278 : i32 to index
        %get3A_280 = tpu.vector_load %arg6[%get3A_279] {strides = array<i32>} : memref<3200xi32, #tpu.memory_space<vmem>>, vector<16xi32>,
        %get3A_281 = vector.shape_cast %get3A_280 : vector<16xi32> to vector<16xi32>
        %dma_start3A_282 = arith.constant 0 : i32
        %dma_start3A_283 = arith.constant 48 : i32
        %dma_start3A_284 = arith.constant 0 : i32
        %dma_start3A_285 = tpu.memref_slice %arg5[%dma_start3A_282, %dma_start3A_283, %dma_start3A_284] : memref<5x160x128xf32, #tpu.memory_space<vmem>> -> memref<1x16x128xf32, #tpu.memory_space<vmem>>
        %dma_start3A_286 = tpu.memref_squeeze %dma_start3A_285 : memref<1x16x128xf32, #tpu.memory_space<vmem>> -> memref<16x128xf32, #tpu.memory_space<vmem>>
        %dma_start3A_287 = arith.constant 0 : i32
        %dma_start3A_288 = arith.constant 0 : i32
        %dma_start3A_289 = tpu.memref_slice %arg8[%dma_start3A_287, %dma_start3A_288] : memref<1024x128xf32, #tpu.memory_space<vmem_shared>> -> memref<1024x128xf32, #tpu.memory_space<vmem_shared>>
        tpu.enqueue_indirect_dma source(%dma_start3A_286 : memref<16x128xf32, #tpu.memory_space<vmem>>) target(%dma_start3A_289 : memref<1024x128xf32, #tpu.memory_space<vmem_shared>>) offsets(%get3A_281 : vector<16xi32>) semaphore(%arg14 : memref<!tpu.dma_semaphore, #tpu.memory_space<semaphore_mem>>) {add = true}
        %mul3A_290 = arith.constant 160 : i32
        %mul3A_291 = arith.muli %add3A_161, %mul3A_290 : i32
        %add3A_292 = arith.constant 64 : i32
        %add3A_293 = arith.addi %mul3A_291, %add3A_292 : i32
        %get3A_294 = arith.index_cast %add3A_293 : i32 to index
        %get3A_295 = tpu.vector_load %arg6[%get3A_294] {strides = array<i32>} : memref<3200xi32, #tpu.memory_space<vmem>>, vector<16xi32>,
        %get3A_296 = vector.shape_cast %get3A_295 : vector<16xi32> to vector<16xi32>
        %dma_start3A_297 = arith.constant 0 : i32
        %dma_start3A_298 = arith.constant 64 : i32
        %dma_start3A_299 = arith.constant 0 : i32
        %dma_start3A_300 = tpu.memref_slice %arg5[%dma_start3A_297, %dma_start3A_298, %dma_start3A_299] : memref<5x160x128xf32, #tpu.memory_space<vmem>> -> memref<1x16x128xf32, #tpu.memory_space<vmem>>
        %dma_start3A_301 = tpu.memref_squeeze %dma_start3A_300 : memref<1x16x128xf32, #tpu.memory_space<vmem>> -> memref<16x128xf32, #tpu.memory_space<vmem>>
        %dma_start3A_302 = arith.constant 0 : i32
        %dma_start3A_303 = arith.constant 0 : i32
        %dma_start3A_304 = tpu.memref_slice %arg8[%dma_start3A_302, %dma_start3A_303] : memref<1024x128xf32, #tpu.memory_space<vmem_shared>> -> memref<1024x128xf32, #tpu.memory_space<vmem_shared>>
        tpu.enqueue_indirect_dma source(%dma_start3A_301 : memref<16x128xf32, #tpu.memory_space<vmem>>) target(%dma_start3A_304 : memref<1024x128xf32, #tpu.memory_space<vmem_shared>>) offsets(%get3A_296 : vector<16xi32>) semaphore(%arg14 : memref<!tpu.dma_semaphore, #tpu.memory_space<semaphore_mem>>) {add = true}
        %mul3A_305 = arith.constant 160 : i32
        %mul3A_306 = arith.muli %add3A_161, %mul3A_305 : i32
        %add3A_307 = arith.constant 80 : i32
        %add3A_308 = arith.addi %mul3A_306, %add3A_307 : i32
        %get3A_309 = arith.index_cast %add3A_308 : i32 to index
        %get3A_310 = tpu.vector_load %arg6[%get3A_309] {strides = array<i32>} : memref<3200xi32, #tpu.memory_space<vmem>>, vector<16xi32>,
        %get3A_311 = vector.shape_cast %get3A_310 : vector<16xi32> to vector<16xi32>
        %dma_start3A_312 = arith.constant 0 : i32
        %dma_start3A_313 = arith.constant 80 : i32
        %dma_start3A_314 = arith.constant 0 : i32
        %dma_start3A_315 = tpu.memref_slice %arg5[%dma_start3A_312, %dma_start3A_313, %dma_start3A_314] : memref<5x160x128xf32, #tpu.memory_space<vmem>> -> memref<1x16x128xf32, #tpu.memory_space<vmem>>
        %dma_start3A_316 = tpu.memref_squeeze %dma_start3A_315 : memref<1x16x128xf32, #tpu.memory_space<vmem>> -> memref<16x128xf32, #tpu.memory_space<vmem>>
        %dma_start3A_317 = arith.constant 0 : i32
        %dma_start3A_318 = arith.constant 0 : i32
        %dma_start3A_319 = tpu.memref_slice %arg8[%dma_start3A_317, %dma_start3A_318] : memref<1024x128xf32, #tpu.memory_space<vmem_shared>> -> memref<1024x128xf32, #tpu.memory_space<vmem_shared>>
        tpu.enqueue_indirect_dma source(%dma_start3A_316 : memref<16x128xf32, #tpu.memory_space<vmem>>) target(%dma_start3A_319 : memref<1024x128xf32, #tpu.memory_space<vmem_shared>>) offsets(%get3A_311 : vector<16xi32>) semaphore(%arg14 : memref<!tpu.dma_semaphore, #tpu.memory_space<semaphore_mem>>) {add = true}
        %mul3A_320 = arith.constant 160 : i32
        %mul3A_321 = arith.muli %add3A_161, %mul3A_320 : i32
        %add3A_322 = arith.constant 96 : i32
        %add3A_323 = arith.addi %mul3A_321, %add3A_322 : i32
        %get3A_324 = arith.index_cast %add3A_323 : i32 to index
        %get3A_325 = tpu.vector_load %arg6[%get3A_324] {strides = array<i32>} : memref<3200xi32, #tpu.memory_space<vmem>>, vector<16xi32>,
        %get3A_326 = vector.shape_cast %get3A_325 : vector<16xi32> to vector<16xi32>
        %dma_start3A_327 = arith.constant 0 : i32
        %dma_start3A_328 = arith.constant 96 : i32
        %dma_start3A_329 = arith.constant 0 : i32
        %dma_start3A_330 = tpu.memref_slice %arg5[%dma_start3A_327, %dma_start3A_328, %dma_start3A_329] : memref<5x160x128xf32, #tpu.memory_space<vmem>> -> memref<1x16x128xf32, #tpu.memory_space<vmem>>
        %dma_start3A_331 = tpu.memref_squeeze %dma_start3A_330 : memref<1x16x128xf32, #tpu.memory_space<vmem>> -> memref<16x128xf32, #tpu.memory_space<vmem>>
        %dma_start3A_332 = arith.constant 0 : i32
        %dma_start3A_333 = arith.constant 0 : i32
        %dma_start3A_334 = tpu.memref_slice %arg8[%dma_start3A_332, %dma_start3A_333] : memref<1024x128xf32, #tpu.memory_space<vmem_shared>> -> memref<1024x128xf32, #tpu.memory_space<vmem_shared>>
        tpu.enqueue_indirect_dma source(%dma_start3A_331 : memref<16x128xf32, #tpu.memory_space<vmem>>) target(%dma_start3A_334 : memref<1024x128xf32, #tpu.memory_space<vmem_shared>>) offsets(%get3A_326 : vector<16xi32>) semaphore(%arg14 : memref<!tpu.dma_semaphore, #tpu.memory_space<semaphore_mem>>) {add = true}
        %mul3A_335 = arith.constant 160 : i32
        %mul3A_336 = arith.muli %add3A_161, %mul3A_335 : i32
        %add3A_337 = arith.constant 112 : i32
        %add3A_338 = arith.addi %mul3A_336, %add3A_337 : i32
        %get3A_339 = arith.index_cast %add3A_338 : i32 to index
        %get3A_340 = tpu.vector_load %arg6[%get3A_339] {strides = array<i32>} : memref<3200xi32, #tpu.memory_space<vmem>>, vector<16xi32>,
        %get3A_341 = vector.shape_cast %get3A_340 : vector<16xi32> to vector<16xi32>
        %dma_start3A_342 = arith.constant 0 : i32
        %dma_start3A_343 = arith.constant 112 : i32
        %dma_start3A_344 = arith.constant 0 : i32
        %dma_start3A_345 = tpu.memref_slice %arg5[%dma_start3A_342, %dma_start3A_343, %dma_start3A_344] : memref<5x160x128xf32, #tpu.memory_space<vmem>> -> memref<1x16x128xf32, #tpu.memory_space<vmem>>
        %dma_start3A_346 = tpu.memref_squeeze %dma_start3A_345 : memref<1x16x128xf32, #tpu.memory_space<vmem>> -> memref<16x128xf32, #tpu.memory_space<vmem>>
        %dma_start3A_347 = arith.constant 0 : i32
        %dma_start3A_348 = arith.constant 0 : i32
        %dma_start3A_349 = tpu.memref_slice %arg8[%dma_start3A_347, %dma_start3A_348] : memref<1024x128xf32, #tpu.memory_space<vmem_shared>> -> memref<1024x128xf32, #tpu.memory_space<vmem_shared>>
        tpu.enqueue_indirect_dma source(%dma_start3A_346 : memref<16x128xf32, #tpu.memory_space<vmem>>) target(%dma_start3A_349 : memref<1024x128xf32, #tpu.memory_space<vmem_shared>>) offsets(%get3A_341 : vector<16xi32>) semaphore(%arg14 : memref<!tpu.dma_semaphore, #tpu.memory_space<semaphore_mem>>) {add = true}
        %mul3A_350 = arith.constant 160 : i32
        %mul3A_351 = arith.muli %add3A_161, %mul3A_350 : i32
        %add3A_352 = arith.constant 128 : i32
        %add3A_353 = arith.addi %mul3A_351, %add3A_352 : i32
        %get3A_354 = arith.index_cast %add3A_353 : i32 to index
        %get3A_355 = tpu.vector_load %arg6[%get3A_354] {strides = array<i32>} : memref<3200xi32, #tpu.memory_space<vmem>>, vector<16xi32>,
        %get3A_356 = vector.shape_cast %get3A_355 : vector<16xi32> to vector<16xi32>
        %dma_start3A_357 = arith.constant 0 : i32
        %dma_start3A_358 = arith.constant 128 : i32
        %dma_start3A_359 = arith.constant 0 : i32
        %dma_start3A_360 = tpu.memref_slice %arg5[%dma_start3A_357, %dma_start3A_358, %dma_start3A_359] : memref<5x160x128xf32, #tpu.memory_space<vmem>> -> memref<1x16x128xf32, #tpu.memory_space<vmem>>
        %dma_start3A_361 = tpu.memref_squeeze %dma_start3A_360 : memref<1x16x128xf32, #tpu.memory_space<vmem>> -> memref<16x128xf32, #tpu.memory_space<vmem>>
        %dma_start3A_362 = arith.constant 0 : i32
        %dma_start3A_363 = arith.constant 0 : i32
        %dma_start3A_364 = tpu.memref_slice %arg8[%dma_start3A_362, %dma_start3A_363] : memref<1024x128xf32, #tpu.memory_space<vmem_shared>> -> memref<1024x128xf32, #tpu.memory_space<vmem_shared>>
        tpu.enqueue_indirect_dma source(%dma_start3A_361 : memref<16x128xf32, #tpu.memory_space<vmem>>) target(%dma_start3A_364 : memref<1024x128xf32, #tpu.memory_space<vmem_shared>>) offsets(%get3A_356 : vector<16xi32>) semaphore(%arg14 : memref<!tpu.dma_semaphore, #tpu.memory_space<semaphore_mem>>) {add = true}
        %mul3A_365 = arith.constant 160 : i32
        %mul3A_366 = arith.muli %add3A_161, %mul3A_365 : i32
        %add3A_367 = arith.constant 144 : i32
        %add3A_368 = arith.addi %mul3A_366, %add3A_367 : i32
        %get3A_369 = arith.index_cast %add3A_368 : i32 to index
        %get3A_370 = tpu.vector_load %arg6[%get3A_369] {strides = array<i32>} : memref<3200xi32, #tpu.memory_space<vmem>>, vector<16xi32>,
        %get3A_371 = vector.shape_cast %get3A_370 : vector<16xi32> to vector<16xi32>
        %dma_start3A_372 = arith.constant 0 : i32
        %dma_start3A_373 = arith.constant 144 : i32
        %dma_start3A_374 = arith.constant 0 : i32
        %dma_start3A_375 = tpu.memref_slice %arg5[%dma_start3A_372, %dma_start3A_373, %dma_start3A_374] : memref<5x160x128xf32, #tpu.memory_space<vmem>> -> memref<1x16x128xf32, #tpu.memory_space<vmem>>
        %dma_start3A_376 = tpu.memref_squeeze %dma_start3A_375 : memref<1x16x128xf32, #tpu.memory_space<vmem>> -> memref<16x128xf32, #tpu.memory_space<vmem>>
        %dma_start3A_377 = arith.constant 0 : i32
        %dma_start3A_378 = arith.constant 0 : i32
        %dma_start3A_379 = tpu.memref_slice %arg8[%dma_start3A_377, %dma_start3A_378] : memref<1024x128xf32, #tpu.memory_space<vmem_shared>> -> memref<1024x128xf32, #tpu.memory_space<vmem_shared>>
        tpu.enqueue_indirect_dma source(%dma_start3A_376 : memref<16x128xf32, #tpu.memory_space<vmem>>) target(%dma_start3A_379 : memref<1024x128xf32, #tpu.memory_space<vmem_shared>>) offsets(%get3A_371 : vector<16xi32>) semaphore(%arg14 : memref<!tpu.dma_semaphore, #tpu.memory_space<semaphore_mem>>) {add = true}
      } else {
      }
      %mul3A_166 = arith.constant 5 : i32
      %mul3A_167 = arith.muli %mul3A_166, %scan3A_157 : i32
      %add3A_168 = arith.constant 1 : i32
      %add3A_169 = arith.addi %mul3A_167, %add3A_168 : i32
      %lt3A_170 = arith.cmpi slt, %add3A_169, %select_n3A_12 : i32
      %convert_element_type3A_171 = arith.extui %lt3A_170 : i1 to i32
      %cond3A_172 = arith.constant 0 : i32
      %cond3A_173 = arith.cmpi ne, %convert_element_type3A_171, %cond3A_172 : i32
      scf.if %cond3A_173 {
        %ge3A = arith.constant 3 : i32
        %ge3A_198 = arith.cmpi sge, %add3A_169, %ge3A : i32
        %add3A_199 = arith.constant 5 : i32
        %add3A_200 = arith.addi %add3A_169, %add3A_199 : i32
        %sub3A_201 = arith.constant 3 : i32
        %sub3A_202 = arith.subi %add3A_200, %sub3A_201 : i32
        %lt3A_203 = arith.cmpi slt, %sub3A_202, %select_n3A_12 : i32
        %and3A = arith.andi %ge3A_198, %lt3A_203 : i1
        %convert_element_type3A_204 = arith.extui %and3A : i1 to i32
        %cond3A_205 = arith.constant 0 : i32
        %cond3A_206 = arith.cmpi ne, %convert_element_type3A_204, %cond3A_205 : i32
        scf.if %cond3A_206 {
          %dma_wait3A_380 = arith.constant 3 : i32
          %dma_wait3A_381 = arith.constant 0 : i32
          %dma_wait3A_382 = arith.constant 0 : i32
          %dma_wait3A_383 = tpu.memref_slice %arg5[%dma_wait3A_380, %dma_wait3A_381, %dma_wait3A_382] : memref<5x160x128xf32, #tpu.memory_space<vmem>> -> memref<1x160x128xf32, #tpu.memory_space<vmem>>
          %dma_wait3A_384 = tpu.memref_squeeze %dma_wait3A_383 : memref<1x160x128xf32, #tpu.memory_space<vmem>> -> memref<160x128xf32, #tpu.memory_space<vmem>>
          %dma_wait3A_385 = arith.constant 0 : i32
          %dma_wait3A_386 = arith.constant 0 : i32
          %dma_wait3A_387 = tpu.memref_slice %arg8[%dma_wait3A_385, %dma_wait3A_386] : memref<1024x128xf32, #tpu.memory_space<vmem_shared>> -> memref<160x128xf32, #tpu.memory_space<vmem_shared>>
          %dma_wait3A_388 = arith.constant 0 : i32
          %dma_wait3A_389 = arith.constant 0 : i32
          %dma_wait3A_390 = tpu.memref_slice %arg8[%dma_wait3A_388, %dma_wait3A_389] : memref<1024x128xf32, #tpu.memory_space<vmem_shared>> -> memref<160x128xf32, #tpu.memory_space<vmem_shared>>
          %dma_wait3A_391 = arith.constant 0 : i32
          %dma_wait3A_392 = arith.constant 0 : i32
          %dma_wait3A_393 = tpu.memref_slice %arg5[%dma_wait3A_380, %dma_wait3A_391, %dma_wait3A_392] : memref<5x160x128xf32, #tpu.memory_space<vmem>> -> memref<1x160x128xf32, #tpu.memory_space<vmem>>
          %dma_wait3A_394 = tpu.memref_squeeze %dma_wait3A_393 : memref<1x160x128xf32, #tpu.memory_space<vmem>> -> memref<160x128xf32, #tpu.memory_space<vmem>>
          tpu.wait_dma2 semaphore(%arg17 : memref<!tpu.dma_semaphore, #tpu.memory_space<semaphore_mem>>) src(%dma_wait3A_394 : memref<160x128xf32, #tpu.memory_space<vmem>>) dst(%dma_wait3A_390 : memref<160x128xf32, #tpu.memory_space<vmem_shared>>)
        } else {
        }
        %add3A_207 = arith.constant 5 : i32
        %add3A_208 = arith.addi %add3A_169, %add3A_207 : i32
        %sub3A_209 = arith.constant 3 : i32
        %sub3A_210 = arith.subi %add3A_208, %sub3A_209 : i32
        %lt3A_211 = arith.cmpi slt, %sub3A_210, %select_n3A_12 : i32
        %convert_element_type3A_212 = arith.extui %lt3A_211 : i1 to i32
        %cond3A_213 = arith.constant 0 : i32
        %cond3A_214 = arith.cmpi ne, %convert_element_type3A_212, %cond3A_213 : i32
        scf.if %cond3A_214 {
          %add3A_380 = arith.constant 5 : i32
          %add3A_381 = arith.addi %add3A_169, %add3A_380 : i32
          %sub3A_382 = arith.constant 3 : i32
          %sub3A_383 = arith.subi %add3A_381, %sub3A_382 : i32
          %mul3A_384 = arith.constant 160 : i32
          %mul3A_385 = arith.muli %sub3A_383, %mul3A_384 : i32
          %add3A_386 = arith.addi %select_n3A, %mul3A_385 : i32
          %dma_start3A_387 = arith.constant 3 : i32
          %dma_start3A_388 = arith.constant 0 : i32
          %dma_start3A_389 = arith.constant 0 : i32
          %dma_start3A_390 = tpu.memref_slice %arg5[%dma_start3A_387, %dma_start3A_388, %dma_start3A_389] : memref<5x160x128xf32, #tpu.memory_space<vmem>> -> memref<1x160x128xf32, #tpu.memory_space<vmem>>
          %dma_start3A_391 = tpu.memref_squeeze %dma_start3A_390 : memref<1x160x128xf32, #tpu.memory_space<vmem>> -> memref<160x128xf32, #tpu.memory_space<vmem>>
          %dma_start3A_392 = arith.constant 0 : i32
          %dma_start3A_393 = tpu.memref_slice %arg2[%add3A_386, %dma_start3A_392] : memref<100000x128xf32, #tpu.memory_space<hbm>> -> memref<160x128xf32, #tpu.memory_space<hbm>>
          %dma_start3A_394 = arith.constant 0 : i32
          %dma_start3A_395 = arith.constant 0 : i32
          %dma_start3A_396 = tpu.memref_slice %arg5[%dma_start3A_387, %dma_start3A_394, %dma_start3A_395] : memref<5x160x128xf32, #tpu.memory_space<vmem>> -> memref<1x160x128xf32, #tpu.memory_space<vmem>>
          %dma_start3A_397 = tpu.memref_squeeze %dma_start3A_396 : memref<1x160x128xf32, #tpu.memory_space<vmem>> -> memref<160x128xf32, #tpu.memory_space<vmem>>
          %dma_start3A_398 = arith.constant 0 : i32
          %dma_start3A_399 = tpu.memref_slice %arg2[%add3A_386, %dma_start3A_398] : memref<100000x128xf32, #tpu.memory_space<hbm>> -> memref<160x128xf32, #tpu.memory_space<hbm>>
          tpu.enqueue_dma source(%dma_start3A_399 : memref<160x128xf32, #tpu.memory_space<hbm>>) target(%dma_start3A_397 : memref<160x128xf32, #tpu.memory_space<vmem>>) target_semaphore(%arg12 : memref<!tpu.dma_semaphore, #tpu.memory_space<semaphore_mem>>)
        } else {
        }
        %mul3A_215 = arith.constant 160 : i32
        %mul3A_216 = arith.muli %add3A_169, %mul3A_215 : i32
        %add3A_217 = arith.addi %select_n3A, %mul3A_216 : i32
        %dma_wait3A_218 = arith.constant 1 : i32
        %dma_wait3A_219 = arith.constant 0 : i32
        %dma_wait3A_220 = arith.constant 0 : i32
        %dma_wait3A_221 = tpu.memref_slice %arg5[%dma_wait3A_218, %dma_wait3A_219, %dma_wait3A_220] : memref<5x160x128xf32, #tpu.memory_space<vmem>> -> memref<1x160x128xf32, #tpu.memory_space<vmem>>
        %dma_wait3A_222 = tpu.memref_squeeze %dma_wait3A_221 : memref<1x160x128xf32, #tpu.memory_space<vmem>> -> memref<160x128xf32, #tpu.memory_space<vmem>>
        %dma_wait3A_223 = arith.constant 0 : i32
        %dma_wait3A_224 = tpu.memref_slice %arg2[%add3A_217, %dma_wait3A_223] : memref<100000x128xf32, #tpu.memory_space<hbm>> -> memref<160x128xf32, #tpu.memory_space<hbm>>
        %dma_wait3A_225 = arith.constant 0 : i32
        %dma_wait3A_226 = arith.constant 0 : i32
        %dma_wait3A_227 = tpu.memref_slice %arg5[%dma_wait3A_218, %dma_wait3A_225, %dma_wait3A_226] : memref<5x160x128xf32, #tpu.memory_space<vmem>> -> memref<1x160x128xf32, #tpu.memory_space<vmem>>
        %dma_wait3A_228 = tpu.memref_squeeze %dma_wait3A_227 : memref<1x160x128xf32, #tpu.memory_space<vmem>> -> memref<160x128xf32, #tpu.memory_space<vmem>>
        %dma_wait3A_229 = arith.constant 0 : i32
        %dma_wait3A_230 = tpu.memref_slice %arg2[%add3A_217, %dma_wait3A_229] : memref<100000x128xf32, #tpu.memory_space<hbm>> -> memref<160x128xf32, #tpu.memory_space<hbm>>
        tpu.wait_dma2 semaphore(%arg10 : memref<!tpu.dma_semaphore, #tpu.memory_space<semaphore_mem>>) src(%dma_wait3A_230 : memref<160x128xf32, #tpu.memory_space<hbm>>) dst(%dma_wait3A_228 : memref<160x128xf32, #tpu.memory_space<vmem>>)
        %mul3A_231 = arith.constant 160 : i32
        %mul3A_232 = arith.muli %add3A_169, %mul3A_231 : i32
        %add3A_233 = arith.constant 0 : i32
        %add3A_234 = arith.addi %mul3A_232, %add3A_233 : i32
        %get3A = arith.index_cast %add3A_234 : i32 to index
        %get3A_235 = tpu.vector_load %arg6[%get3A] {strides = array<i32>} : memref<3200xi32, #tpu.memory_space<vmem>>, vector<16xi32>,
        %get3A_236 = vector.shape_cast %get3A_235 : vector<16xi32> to vector<16xi32>
        %dma_start3A_237 = arith.constant 1 : i32
        %dma_start3A_238 = arith.constant 0 : i32
        %dma_start3A_239 = arith.constant 0 : i32
        %dma_start3A_240 = tpu.memref_slice %arg5[%dma_start3A_237, %dma_start3A_238, %dma_start3A_239] : memref<5x160x128xf32, #tpu.memory_space<vmem>> -> memref<1x16x128xf32, #tpu.memory_space<vmem>>
        %dma_start3A_241 = tpu.memref_squeeze %dma_start3A_240 : memref<1x16x128xf32, #tpu.memory_space<vmem>> -> memref<16x128xf32, #tpu.memory_space<vmem>>
        %dma_start3A_242 = arith.constant 0 : i32
        %dma_start3A_243 = arith.constant 0 : i32
        %dma_start3A_244 = tpu.memref_slice %arg8[%dma_start3A_242, %dma_start3A_243] : memref<1024x128xf32, #tpu.memory_space<vmem_shared>> -> memref<1024x128xf32, #tpu.memory_space<vmem_shared>>
        tpu.enqueue_indirect_dma source(%dma_start3A_241 : memref<16x128xf32, #tpu.memory_space<vmem>>) target(%dma_start3A_244 : memref<1024x128xf32, #tpu.memory_space<vmem_shared>>) offsets(%get3A_236 : vector<16xi32>) semaphore(%arg15 : memref<!tpu.dma_semaphore, #tpu.memory_space<semaphore_mem>>) {add = true}
        %mul3A_245 = arith.constant 160 : i32
        %mul3A_246 = arith.muli %add3A_169, %mul3A_245 : i32
        %add3A_247 = arith.constant 16 : i32
        %add3A_248 = arith.addi %mul3A_246, %add3A_247 : i32
        %get3A_249 = arith.index_cast %add3A_248 : i32 to index
        %get3A_250 = tpu.vector_load %arg6[%get3A_249] {strides = array<i32>} : memref<3200xi32, #tpu.memory_space<vmem>>, vector<16xi32>,
        %get3A_251 = vector.shape_cast %get3A_250 : vector<16xi32> to vector<16xi32>
        %dma_start3A_252 = arith.constant 1 : i32
        %dma_start3A_253 = arith.constant 16 : i32
        %dma_start3A_254 = arith.constant 0 : i32
        %dma_start3A_255 = tpu.memref_slice %arg5[%dma_start3A_252, %dma_start3A_253, %dma_start3A_254] : memref<5x160x128xf32, #tpu.memory_space<vmem>> -> memref<1x16x128xf32, #tpu.memory_space<vmem>>
        %dma_start3A_256 = tpu.memref_squeeze %dma_start3A_255 : memref<1x16x128xf32, #tpu.memory_space<vmem>> -> memref<16x128xf32, #tpu.memory_space<vmem>>
        %dma_start3A_257 = arith.constant 0 : i32
        %dma_start3A_258 = arith.constant 0 : i32
        %dma_start3A_259 = tpu.memref_slice %arg8[%dma_start3A_257, %dma_start3A_258] : memref<1024x128xf32, #tpu.memory_space<vmem_shared>> -> memref<1024x128xf32, #tpu.memory_space<vmem_shared>>
        tpu.enqueue_indirect_dma source(%dma_start3A_256 : memref<16x128xf32, #tpu.memory_space<vmem>>) target(%dma_start3A_259 : memref<1024x128xf32, #tpu.memory_space<vmem_shared>>) offsets(%get3A_251 : vector<16xi32>) semaphore(%arg15 : memref<!tpu.dma_semaphore, #tpu.memory_space<semaphore_mem>>) {add = true}
        %mul3A_260 = arith.constant 160 : i32
        %mul3A_261 = arith.muli %add3A_169, %mul3A_260 : i32
        %add3A_262 = arith.constant 32 : i32
        %add3A_263 = arith.addi %mul3A_261, %add3A_262 : i32
        %get3A_264 = arith.index_cast %add3A_263 : i32 to index
        %get3A_265 = tpu.vector_load %arg6[%get3A_264] {strides = array<i32>} : memref<3200xi32, #tpu.memory_space<vmem>>, vector<16xi32>,
        %get3A_266 = vector.shape_cast %get3A_265 : vector<16xi32> to vector<16xi32>
        %dma_start3A_267 = arith.constant 1 : i32
        %dma_start3A_268 = arith.constant 32 : i32
        %dma_start3A_269 = arith.constant 0 : i32
        %dma_start3A_270 = tpu.memref_slice %arg5[%dma_start3A_267, %dma_start3A_268, %dma_start3A_269] : memref<5x160x128xf32, #tpu.memory_space<vmem>> -> memref<1x16x128xf32, #tpu.memory_space<vmem>>
        %dma_start3A_271 = tpu.memref_squeeze %dma_start3A_270 : memref<1x16x128xf32, #tpu.memory_space<vmem>> -> memref<16x128xf32, #tpu.memory_space<vmem>>
        %dma_start3A_272 = arith.constant 0 : i32
        %dma_start3A_273 = arith.constant 0 : i32
        %dma_start3A_274 = tpu.memref_slice %arg8[%dma_start3A_272, %dma_start3A_273] : memref<1024x128xf32, #tpu.memory_space<vmem_shared>> -> memref<1024x128xf32, #tpu.memory_space<vmem_shared>>
        tpu.enqueue_indirect_dma source(%dma_start3A_271 : memref<16x128xf32, #tpu.memory_space<vmem>>) target(%dma_start3A_274 : memref<1024x128xf32, #tpu.memory_space<vmem_shared>>) offsets(%get3A_266 : vector<16xi32>) semaphore(%arg15 : memref<!tpu.dma_semaphore, #tpu.memory_space<semaphore_mem>>) {add = true}
        %mul3A_275 = arith.constant 160 : i32
        %mul3A_276 = arith.muli %add3A_169, %mul3A_275 : i32
        %add3A_277 = arith.constant 48 : i32
        %add3A_278 = arith.addi %mul3A_276, %add3A_277 : i32
        %get3A_279 = arith.index_cast %add3A_278 : i32 to index
        %get3A_280 = tpu.vector_load %arg6[%get3A_279] {strides = array<i32>} : memref<3200xi32, #tpu.memory_space<vmem>>, vector<16xi32>,
        %get3A_281 = vector.shape_cast %get3A_280 : vector<16xi32> to vector<16xi32>
        %dma_start3A_282 = arith.constant 1 : i32
        %dma_start3A_283 = arith.constant 48 : i32
        %dma_start3A_284 = arith.constant 0 : i32
        %dma_start3A_285 = tpu.memref_slice %arg5[%dma_start3A_282, %dma_start3A_283, %dma_start3A_284] : memref<5x160x128xf32, #tpu.memory_space<vmem>> -> memref<1x16x128xf32, #tpu.memory_space<vmem>>
        %dma_start3A_286 = tpu.memref_squeeze %dma_start3A_285 : memref<1x16x128xf32, #tpu.memory_space<vmem>> -> memref<16x128xf32, #tpu.memory_space<vmem>>
        %dma_start3A_287 = arith.constant 0 : i32
        %dma_start3A_288 = arith.constant 0 : i32
        %dma_start3A_289 = tpu.memref_slice %arg8[%dma_start3A_287, %dma_start3A_288] : memref<1024x128xf32, #tpu.memory_space<vmem_shared>> -> memref<1024x128xf32, #tpu.memory_space<vmem_shared>>
        tpu.enqueue_indirect_dma source(%dma_start3A_286 : memref<16x128xf32, #tpu.memory_space<vmem>>) target(%dma_start3A_289 : memref<1024x128xf32, #tpu.memory_space<vmem_shared>>) offsets(%get3A_281 : vector<16xi32>) semaphore(%arg15 : memref<!tpu.dma_semaphore, #tpu.memory_space<semaphore_mem>>) {add = true}
        %mul3A_290 = arith.constant 160 : i32
        %mul3A_291 = arith.muli %add3A_169, %mul3A_290 : i32
        %add3A_292 = arith.constant 64 : i32
        %add3A_293 = arith.addi %mul3A_291, %add3A_292 : i32
        %get3A_294 = arith.index_cast %add3A_293 : i32 to index
        %get3A_295 = tpu.vector_load %arg6[%get3A_294] {strides = array<i32>} : memref<3200xi32, #tpu.memory_space<vmem>>, vector<16xi32>,
        %get3A_296 = vector.shape_cast %get3A_295 : vector<16xi32> to vector<16xi32>
        %dma_start3A_297 = arith.constant 1 : i32
        %dma_start3A_298 = arith.constant 64 : i32
        %dma_start3A_299 = arith.constant 0 : i32
        %dma_start3A_300 = tpu.memref_slice %arg5[%dma_start3A_297, %dma_start3A_298, %dma_start3A_299] : memref<5x160x128xf32, #tpu.memory_space<vmem>> -> memref<1x16x128xf32, #tpu.memory_space<vmem>>
        %dma_start3A_301 = tpu.memref_squeeze %dma_start3A_300 : memref<1x16x128xf32, #tpu.memory_space<vmem>> -> memref<16x128xf32, #tpu.memory_space<vmem>>
        %dma_start3A_302 = arith.constant 0 : i32
        %dma_start3A_303 = arith.constant 0 : i32
        %dma_start3A_304 = tpu.memref_slice %arg8[%dma_start3A_302, %dma_start3A_303] : memref<1024x128xf32, #tpu.memory_space<vmem_shared>> -> memref<1024x128xf32, #tpu.memory_space<vmem_shared>>
        tpu.enqueue_indirect_dma source(%dma_start3A_301 : memref<16x128xf32, #tpu.memory_space<vmem>>) target(%dma_start3A_304 : memref<1024x128xf32, #tpu.memory_space<vmem_shared>>) offsets(%get3A_296 : vector<16xi32>) semaphore(%arg15 : memref<!tpu.dma_semaphore, #tpu.memory_space<semaphore_mem>>) {add = true}
        %mul3A_305 = arith.constant 160 : i32
        %mul3A_306 = arith.muli %add3A_169, %mul3A_305 : i32
        %add3A_307 = arith.constant 80 : i32
        %add3A_308 = arith.addi %mul3A_306, %add3A_307 : i32
        %get3A_309 = arith.index_cast %add3A_308 : i32 to index
        %get3A_310 = tpu.vector_load %arg6[%get3A_309] {strides = array<i32>} : memref<3200xi32, #tpu.memory_space<vmem>>, vector<16xi32>,
        %get3A_311 = vector.shape_cast %get3A_310 : vector<16xi32> to vector<16xi32>
        %dma_start3A_312 = arith.constant 1 : i32
        %dma_start3A_313 = arith.constant 80 : i32
        %dma_start3A_314 = arith.constant 0 : i32
        %dma_start3A_315 = tpu.memref_slice %arg5[%dma_start3A_312, %dma_start3A_313, %dma_start3A_314] : memref<5x160x128xf32, #tpu.memory_space<vmem>> -> memref<1x16x128xf32, #tpu.memory_space<vmem>>
        %dma_start3A_316 = tpu.memref_squeeze %dma_start3A_315 : memref<1x16x128xf32, #tpu.memory_space<vmem>> -> memref<16x128xf32, #tpu.memory_space<vmem>>
        %dma_start3A_317 = arith.constant 0 : i32
        %dma_start3A_318 = arith.constant 0 : i32
        %dma_start3A_319 = tpu.memref_slice %arg8[%dma_start3A_317, %dma_start3A_318] : memref<1024x128xf32, #tpu.memory_space<vmem_shared>> -> memref<1024x128xf32, #tpu.memory_space<vmem_shared>>
        tpu.enqueue_indirect_dma source(%dma_start3A_316 : memref<16x128xf32, #tpu.memory_space<vmem>>) target(%dma_start3A_319 : memref<1024x128xf32, #tpu.memory_space<vmem_shared>>) offsets(%get3A_311 : vector<16xi32>) semaphore(%arg15 : memref<!tpu.dma_semaphore, #tpu.memory_space<semaphore_mem>>) {add = true}
        %mul3A_320 = arith.constant 160 : i32
        %mul3A_321 = arith.muli %add3A_169, %mul3A_320 : i32
        %add3A_322 = arith.constant 96 : i32
        %add3A_323 = arith.addi %mul3A_321, %add3A_322 : i32
        %get3A_324 = arith.index_cast %add3A_323 : i32 to index
        %get3A_325 = tpu.vector_load %arg6[%get3A_324] {strides = array<i32>} : memref<3200xi32, #tpu.memory_space<vmem>>, vector<16xi32>,
        %get3A_326 = vector.shape_cast %get3A_325 : vector<16xi32> to vector<16xi32>
        %dma_start3A_327 = arith.constant 1 : i32
        %dma_start3A_328 = arith.constant 96 : i32
        %dma_start3A_329 = arith.constant 0 : i32
        %dma_start3A_330 = tpu.memref_slice %arg5[%dma_start3A_327, %dma_start3A_328, %dma_start3A_329] : memref<5x160x128xf32, #tpu.memory_space<vmem>> -> memref<1x16x128xf32, #tpu.memory_space<vmem>>
        %dma_start3A_331 = tpu.memref_squeeze %dma_start3A_330 : memref<1x16x128xf32, #tpu.memory_space<vmem>> -> memref<16x128xf32, #tpu.memory_space<vmem>>
        %dma_start3A_332 = arith.constant 0 : i32
        %dma_start3A_333 = arith.constant 0 : i32
        %dma_start3A_334 = tpu.memref_slice %arg8[%dma_start3A_332, %dma_start3A_333] : memref<1024x128xf32, #tpu.memory_space<vmem_shared>> -> memref<1024x128xf32, #tpu.memory_space<vmem_shared>>
        tpu.enqueue_indirect_dma source(%dma_start3A_331 : memref<16x128xf32, #tpu.memory_space<vmem>>) target(%dma_start3A_334 : memref<1024x128xf32, #tpu.memory_space<vmem_shared>>) offsets(%get3A_326 : vector<16xi32>) semaphore(%arg15 : memref<!tpu.dma_semaphore, #tpu.memory_space<semaphore_mem>>) {add = true}
        %mul3A_335 = arith.constant 160 : i32
        %mul3A_336 = arith.muli %add3A_169, %mul3A_335 : i32
        %add3A_337 = arith.constant 112 : i32
        %add3A_338 = arith.addi %mul3A_336, %add3A_337 : i32
        %get3A_339 = arith.index_cast %add3A_338 : i32 to index
        %get3A_340 = tpu.vector_load %arg6[%get3A_339] {strides = array<i32>} : memref<3200xi32, #tpu.memory_space<vmem>>, vector<16xi32>,
        %get3A_341 = vector.shape_cast %get3A_340 : vector<16xi32> to vector<16xi32>
        %dma_start3A_342 = arith.constant 1 : i32
        %dma_start3A_343 = arith.constant 112 : i32
        %dma_start3A_344 = arith.constant 0 : i32
        %dma_start3A_345 = tpu.memref_slice %arg5[%dma_start3A_342, %dma_start3A_343, %dma_start3A_344] : memref<5x160x128xf32, #tpu.memory_space<vmem>> -> memref<1x16x128xf32, #tpu.memory_space<vmem>>
        %dma_start3A_346 = tpu.memref_squeeze %dma_start3A_345 : memref<1x16x128xf32, #tpu.memory_space<vmem>> -> memref<16x128xf32, #tpu.memory_space<vmem>>
        %dma_start3A_347 = arith.constant 0 : i32
        %dma_start3A_348 = arith.constant 0 : i32
        %dma_start3A_349 = tpu.memref_slice %arg8[%dma_start3A_347, %dma_start3A_348] : memref<1024x128xf32, #tpu.memory_space<vmem_shared>> -> memref<1024x128xf32, #tpu.memory_space<vmem_shared>>
        tpu.enqueue_indirect_dma source(%dma_start3A_346 : memref<16x128xf32, #tpu.memory_space<vmem>>) target(%dma_start3A_349 : memref<1024x128xf32, #tpu.memory_space<vmem_shared>>) offsets(%get3A_341 : vector<16xi32>) semaphore(%arg15 : memref<!tpu.dma_semaphore, #tpu.memory_space<semaphore_mem>>) {add = true}
        %mul3A_350 = arith.constant 160 : i32
        %mul3A_351 = arith.muli %add3A_169, %mul3A_350 : i32
        %add3A_352 = arith.constant 128 : i32
        %add3A_353 = arith.addi %mul3A_351, %add3A_352 : i32
        %get3A_354 = arith.index_cast %add3A_353 : i32 to index
        %get3A_355 = tpu.vector_load %arg6[%get3A_354] {strides = array<i32>} : memref<3200xi32, #tpu.memory_space<vmem>>, vector<16xi32>,
        %get3A_356 = vector.shape_cast %get3A_355 : vector<16xi32> to vector<16xi32>
        %dma_start3A_357 = arith.constant 1 : i32
        %dma_start3A_358 = arith.constant 128 : i32
        %dma_start3A_359 = arith.constant 0 : i32
        %dma_start3A_360 = tpu.memref_slice %arg5[%dma_start3A_357, %dma_start3A_358, %dma_start3A_359] : memref<5x160x128xf32, #tpu.memory_space<vmem>> -> memref<1x16x128xf32, #tpu.memory_space<vmem>>
        %dma_start3A_361 = tpu.memref_squeeze %dma_start3A_360 : memref<1x16x128xf32, #tpu.memory_space<vmem>> -> memref<16x128xf32, #tpu.memory_space<vmem>>
        %dma_start3A_362 = arith.constant 0 : i32
        %dma_start3A_363 = arith.constant 0 : i32
        %dma_start3A_364 = tpu.memref_slice %arg8[%dma_start3A_362, %dma_start3A_363] : memref<1024x128xf32, #tpu.memory_space<vmem_shared>> -> memref<1024x128xf32, #tpu.memory_space<vmem_shared>>
        tpu.enqueue_indirect_dma source(%dma_start3A_361 : memref<16x128xf32, #tpu.memory_space<vmem>>) target(%dma_start3A_364 : memref<1024x128xf32, #tpu.memory_space<vmem_shared>>) offsets(%get3A_356 : vector<16xi32>) semaphore(%arg15 : memref<!tpu.dma_semaphore, #tpu.memory_space<semaphore_mem>>) {add = true}
        %mul3A_365 = arith.constant 160 : i32
        %mul3A_366 = arith.muli %add3A_169, %mul3A_365 : i32
        %add3A_367 = arith.constant 144 : i32
        %add3A_368 = arith.addi %mul3A_366, %add3A_367 : i32
        %get3A_369 = arith.index_cast %add3A_368 : i32 to index
        %get3A_370 = tpu.vector_load %arg6[%get3A_369] {strides = array<i32>} : memref<3200xi32, #tpu.memory_space<vmem>>, vector<16xi32>,
        %get3A_371 = vector.shape_cast %get3A_370 : vector<16xi32> to vector<16xi32>
        %dma_start3A_372 = arith.constant 1 : i32
        %dma_start3A_373 = arith.constant 144 : i32
        %dma_start3A_374 = arith.constant 0 : i32
        %dma_start3A_375 = tpu.memref_slice %arg5[%dma_start3A_372, %dma_start3A_373, %dma_start3A_374] : memref<5x160x128xf32, #tpu.memory_space<vmem>> -> memref<1x16x128xf32, #tpu.memory_space<vmem>>
        %dma_start3A_376 = tpu.memref_squeeze %dma_start3A_375 : memref<1x16x128xf32, #tpu.memory_space<vmem>> -> memref<16x128xf32, #tpu.memory_space<vmem>>
        %dma_start3A_377 = arith.constant 0 : i32
        %dma_start3A_378 = arith.constant 0 : i32
        %dma_start3A_379 = tpu.memref_slice %arg8[%dma_start3A_377, %dma_start3A_378] : memref<1024x128xf32, #tpu.memory_space<vmem_shared>> -> memref<1024x128xf32, #tpu.memory_space<vmem_shared>>
        tpu.enqueue_indirect_dma source(%dma_start3A_376 : memref<16x128xf32, #tpu.memory_space<vmem>>) target(%dma_start3A_379 : memref<1024x128xf32, #tpu.memory_space<vmem_shared>>) offsets(%get3A_371 : vector<16xi32>) semaphore(%arg15 : memref<!tpu.dma_semaphore, #tpu.memory_space<semaphore_mem>>) {add = true}
      } else {
      }
      %mul3A_174 = arith.constant 5 : i32
      %mul3A_175 = arith.muli %mul3A_174, %scan3A_157 : i32
      %add3A_176 = arith.constant 2 : i32
      %add3A_177 = arith.addi %mul3A_175, %add3A_176 : i32
      %lt3A_178 = arith.cmpi slt, %add3A_177, %select_n3A_12 : i32
      %convert_element_type3A_179 = arith.extui %lt3A_178 : i1 to i32
      %cond3A_180 = arith.constant 0 : i32
      %cond3A_181 = arith.cmpi ne, %convert_element_type3A_179, %cond3A_180 : i32
      scf.if %cond3A_181 {
        %ge3A = arith.constant 3 : i32
        %ge3A_198 = arith.cmpi sge, %add3A_177, %ge3A : i32
        %add3A_199 = arith.constant 5 : i32
        %add3A_200 = arith.addi %add3A_177, %add3A_199 : i32
        %sub3A_201 = arith.constant 3 : i32
        %sub3A_202 = arith.subi %add3A_200, %sub3A_201 : i32
        %lt3A_203 = arith.cmpi slt, %sub3A_202, %select_n3A_12 : i32
        %and3A = arith.andi %ge3A_198, %lt3A_203 : i1
        %convert_element_type3A_204 = arith.extui %and3A : i1 to i32
        %cond3A_205 = arith.constant 0 : i32
        %cond3A_206 = arith.cmpi ne, %convert_element_type3A_204, %cond3A_205 : i32
        scf.if %cond3A_206 {
          %dma_wait3A_380 = arith.constant 4 : i32
          %dma_wait3A_381 = arith.constant 0 : i32
          %dma_wait3A_382 = arith.constant 0 : i32
          %dma_wait3A_383 = tpu.memref_slice %arg5[%dma_wait3A_380, %dma_wait3A_381, %dma_wait3A_382] : memref<5x160x128xf32, #tpu.memory_space<vmem>> -> memref<1x160x128xf32, #tpu.memory_space<vmem>>
          %dma_wait3A_384 = tpu.memref_squeeze %dma_wait3A_383 : memref<1x160x128xf32, #tpu.memory_space<vmem>> -> memref<160x128xf32, #tpu.memory_space<vmem>>
          %dma_wait3A_385 = arith.constant 0 : i32
          %dma_wait3A_386 = arith.constant 0 : i32
          %dma_wait3A_387 = tpu.memref_slice %arg8[%dma_wait3A_385, %dma_wait3A_386] : memref<1024x128xf32, #tpu.memory_space<vmem_shared>> -> memref<160x128xf32, #tpu.memory_space<vmem_shared>>
          %dma_wait3A_388 = arith.constant 0 : i32
          %dma_wait3A_389 = arith.constant 0 : i32
          %dma_wait3A_390 = tpu.memref_slice %arg8[%dma_wait3A_388, %dma_wait3A_389] : memref<1024x128xf32, #tpu.memory_space<vmem_shared>> -> memref<160x128xf32, #tpu.memory_space<vmem_shared>>
          %dma_wait3A_391 = arith.constant 0 : i32
          %dma_wait3A_392 = arith.constant 0 : i32
          %dma_wait3A_393 = tpu.memref_slice %arg5[%dma_wait3A_380, %dma_wait3A_391, %dma_wait3A_392] : memref<5x160x128xf32, #tpu.memory_space<vmem>> -> memref<1x160x128xf32, #tpu.memory_space<vmem>>
          %dma_wait3A_394 = tpu.memref_squeeze %dma_wait3A_393 : memref<1x160x128xf32, #tpu.memory_space<vmem>> -> memref<160x128xf32, #tpu.memory_space<vmem>>
          tpu.wait_dma2 semaphore(%arg18 : memref<!tpu.dma_semaphore, #tpu.memory_space<semaphore_mem>>) src(%dma_wait3A_394 : memref<160x128xf32, #tpu.memory_space<vmem>>) dst(%dma_wait3A_390 : memref<160x128xf32, #tpu.memory_space<vmem_shared>>)
        } else {
        }
        %add3A_207 = arith.constant 5 : i32
        %add3A_208 = arith.addi %add3A_177, %add3A_207 : i32
        %sub3A_209 = arith.constant 3 : i32
        %sub3A_210 = arith.subi %add3A_208, %sub3A_209 : i32
        %lt3A_211 = arith.cmpi slt, %sub3A_210, %select_n3A_12 : i32
        %convert_element_type3A_212 = arith.extui %lt3A_211 : i1 to i32
        %cond3A_213 = arith.constant 0 : i32
        %cond3A_214 = arith.cmpi ne, %convert_element_type3A_212, %cond3A_213 : i32
        scf.if %cond3A_214 {
          %add3A_380 = arith.constant 5 : i32
          %add3A_381 = arith.addi %add3A_177, %add3A_380 : i32
          %sub3A_382 = arith.constant 3 : i32
          %sub3A_383 = arith.subi %add3A_381, %sub3A_382 : i32
          %mul3A_384 = arith.constant 160 : i32
          %mul3A_385 = arith.muli %sub3A_383, %mul3A_384 : i32
          %add3A_386 = arith.addi %select_n3A, %mul3A_385 : i32
          %dma_start3A_387 = arith.constant 4 : i32
          %dma_start3A_388 = arith.constant 0 : i32
          %dma_start3A_389 = arith.constant 0 : i32
          %dma_start3A_390 = tpu.memref_slice %arg5[%dma_start3A_387, %dma_start3A_388, %dma_start3A_389] : memref<5x160x128xf32, #tpu.memory_space<vmem>> -> memref<1x160x128xf32, #tpu.memory_space<vmem>>
          %dma_start3A_391 = tpu.memref_squeeze %dma_start3A_390 : memref<1x160x128xf32, #tpu.memory_space<vmem>> -> memref<160x128xf32, #tpu.memory_space<vmem>>
          %dma_start3A_392 = arith.constant 0 : i32
          %dma_start3A_393 = tpu.memref_slice %arg2[%add3A_386, %dma_start3A_392] : memref<100000x128xf32, #tpu.memory_space<hbm>> -> memref<160x128xf32, #tpu.memory_space<hbm>>
          %dma_start3A_394 = arith.constant 0 : i32
          %dma_start3A_395 = arith.constant 0 : i32
          %dma_start3A_396 = tpu.memref_slice %arg5[%dma_start3A_387, %dma_start3A_394, %dma_start3A_395] : memref<5x160x128xf32, #tpu.memory_space<vmem>> -> memref<1x160x128xf32, #tpu.memory_space<vmem>>
          %dma_start3A_397 = tpu.memref_squeeze %dma_start3A_396 : memref<1x160x128xf32, #tpu.memory_space<vmem>> -> memref<160x128xf32, #tpu.memory_space<vmem>>
          %dma_start3A_398 = arith.constant 0 : i32
          %dma_start3A_399 = tpu.memref_slice %arg2[%add3A_386, %dma_start3A_398] : memref<100000x128xf32, #tpu.memory_space<hbm>> -> memref<160x128xf32, #tpu.memory_space<hbm>>
          tpu.enqueue_dma source(%dma_start3A_399 : memref<160x128xf32, #tpu.memory_space<hbm>>) target(%dma_start3A_397 : memref<160x128xf32, #tpu.memory_space<vmem>>) target_semaphore(%arg13 : memref<!tpu.dma_semaphore, #tpu.memory_space<semaphore_mem>>)
        } else {
        }
        %mul3A_215 = arith.constant 160 : i32
        %mul3A_216 = arith.muli %add3A_177, %mul3A_215 : i32
        %add3A_217 = arith.addi %select_n3A, %mul3A_216 : i32
        %dma_wait3A_218 = arith.constant 2 : i32
        %dma_wait3A_219 = arith.constant 0 : i32
        %dma_wait3A_220 = arith.constant 0 : i32
        %dma_wait3A_221 = tpu.memref_slice %arg5[%dma_wait3A_218, %dma_wait3A_219, %dma_wait3A_220] : memref<5x160x128xf32, #tpu.memory_space<vmem>> -> memref<1x160x128xf32, #tpu.memory_space<vmem>>
        %dma_wait3A_222 = tpu.memref_squeeze %dma_wait3A_221 : memref<1x160x128xf32, #tpu.memory_space<vmem>> -> memref<160x128xf32, #tpu.memory_space<vmem>>
        %dma_wait3A_223 = arith.constant 0 : i32
        %dma_wait3A_224 = tpu.memref_slice %arg2[%add3A_217, %dma_wait3A_223] : memref<100000x128xf32, #tpu.memory_space<hbm>> -> memref<160x128xf32, #tpu.memory_space<hbm>>
        %dma_wait3A_225 = arith.constant 0 : i32
        %dma_wait3A_226 = arith.constant 0 : i32
        %dma_wait3A_227 = tpu.memref_slice %arg5[%dma_wait3A_218, %dma_wait3A_225, %dma_wait3A_226] : memref<5x160x128xf32, #tpu.memory_space<vmem>> -> memref<1x160x128xf32, #tpu.memory_space<vmem>>
        %dma_wait3A_228 = tpu.memref_squeeze %dma_wait3A_227 : memref<1x160x128xf32, #tpu.memory_space<vmem>> -> memref<160x128xf32, #tpu.memory_space<vmem>>
        %dma_wait3A_229 = arith.constant 0 : i32
        %dma_wait3A_230 = tpu.memref_slice %arg2[%add3A_217, %dma_wait3A_229] : memref<100000x128xf32, #tpu.memory_space<hbm>> -> memref<160x128xf32, #tpu.memory_space<hbm>>
        tpu.wait_dma2 semaphore(%arg11 : memref<!tpu.dma_semaphore, #tpu.memory_space<semaphore_mem>>) src(%dma_wait3A_230 : memref<160x128xf32, #tpu.memory_space<hbm>>) dst(%dma_wait3A_228 : memref<160x128xf32, #tpu.memory_space<vmem>>)
        %mul3A_231 = arith.constant 160 : i32
        %mul3A_232 = arith.muli %add3A_177, %mul3A_231 : i32
        %add3A_233 = arith.constant 0 : i32
        %add3A_234 = arith.addi %mul3A_232, %add3A_233 : i32
        %get3A = arith.index_cast %add3A_234 : i32 to index
        %get3A_235 = tpu.vector_load %arg6[%get3A] {strides = array<i32>} : memref<3200xi32, #tpu.memory_space<vmem>>, vector<16xi32>,
        %get3A_236 = vector.shape_cast %get3A_235 : vector<16xi32> to vector<16xi32>
        %dma_start3A_237 = arith.constant 2 : i32
        %dma_start3A_238 = arith.constant 0 : i32
        %dma_start3A_239 = arith.constant 0 : i32
        %dma_start3A_240 = tpu.memref_slice %arg5[%dma_start3A_237, %dma_start3A_238, %dma_start3A_239] : memref<5x160x128xf32, #tpu.memory_space<vmem>> -> memref<1x16x128xf32, #tpu.memory_space<vmem>>
        %dma_start3A_241 = tpu.memref_squeeze %dma_start3A_240 : memref<1x16x128xf32, #tpu.memory_space<vmem>> -> memref<16x128xf32, #tpu.memory_space<vmem>>
        %dma_start3A_242 = arith.constant 0 : i32
        %dma_start3A_243 = arith.constant 0 : i32
        %dma_start3A_244 = tpu.memref_slice %arg8[%dma_start3A_242, %dma_start3A_243] : memref<1024x128xf32, #tpu.memory_space<vmem_shared>> -> memref<1024x128xf32, #tpu.memory_space<vmem_shared>>
        tpu.enqueue_indirect_dma source(%dma_start3A_241 : memref<16x128xf32, #tpu.memory_space<vmem>>) target(%dma_start3A_244 : memref<1024x128xf32, #tpu.memory_space<vmem_shared>>) offsets(%get3A_236 : vector<16xi32>) semaphore(%arg16 : memref<!tpu.dma_semaphore, #tpu.memory_space<semaphore_mem>>) {add = true}
        %mul3A_245 = arith.constant 160 : i32
        %mul3A_246 = arith.muli %add3A_177, %mul3A_245 : i32
        %add3A_247 = arith.constant 16 : i32
        %add3A_248 = arith.addi %mul3A_246, %add3A_247 : i32
        %get3A_249 = arith.index_cast %add3A_248 : i32 to index
        %get3A_250 = tpu.vector_load %arg6[%get3A_249] {strides = array<i32>} : memref<3200xi32, #tpu.memory_space<vmem>>, vector<16xi32>,
        %get3A_251 = vector.shape_cast %get3A_250 : vector<16xi32> to vector<16xi32>
        %dma_start3A_252 = arith.constant 2 : i32
        %dma_start3A_253 = arith.constant 16 : i32
        %dma_start3A_254 = arith.constant 0 : i32
        %dma_start3A_255 = tpu.memref_slice %arg5[%dma_start3A_252, %dma_start3A_253, %dma_start3A_254] : memref<5x160x128xf32, #tpu.memory_space<vmem>> -> memref<1x16x128xf32, #tpu.memory_space<vmem>>
        %dma_start3A_256 = tpu.memref_squeeze %dma_start3A_255 : memref<1x16x128xf32, #tpu.memory_space<vmem>> -> memref<16x128xf32, #tpu.memory_space<vmem>>
        %dma_start3A_257 = arith.constant 0 : i32
        %dma_start3A_258 = arith.constant 0 : i32
        %dma_start3A_259 = tpu.memref_slice %arg8[%dma_start3A_257, %dma_start3A_258] : memref<1024x128xf32, #tpu.memory_space<vmem_shared>> -> memref<1024x128xf32, #tpu.memory_space<vmem_shared>>
        tpu.enqueue_indirect_dma source(%dma_start3A_256 : memref<16x128xf32, #tpu.memory_space<vmem>>) target(%dma_start3A_259 : memref<1024x128xf32, #tpu.memory_space<vmem_shared>>) offsets(%get3A_251 : vector<16xi32>) semaphore(%arg16 : memref<!tpu.dma_semaphore, #tpu.memory_space<semaphore_mem>>) {add = true}
        %mul3A_260 = arith.constant 160 : i32
        %mul3A_261 = arith.muli %add3A_177, %mul3A_260 : i32
        %add3A_262 = arith.constant 32 : i32
        %add3A_263 = arith.addi %mul3A_261, %add3A_262 : i32
        %get3A_264 = arith.index_cast %add3A_263 : i32 to index
        %get3A_265 = tpu.vector_load %arg6[%get3A_264] {strides = array<i32>} : memref<3200xi32, #tpu.memory_space<vmem>>, vector<16xi32>,
        %get3A_266 = vector.shape_cast %get3A_265 : vector<16xi32> to vector<16xi32>
        %dma_start3A_267 = arith.constant 2 : i32
        %dma_start3A_268 = arith.constant 32 : i32
        %dma_start3A_269 = arith.constant 0 : i32
        %dma_start3A_270 = tpu.memref_slice %arg5[%dma_start3A_267, %dma_start3A_268, %dma_start3A_269] : memref<5x160x128xf32, #tpu.memory_space<vmem>> -> memref<1x16x128xf32, #tpu.memory_space<vmem>>
        %dma_start3A_271 = tpu.memref_squeeze %dma_start3A_270 : memref<1x16x128xf32, #tpu.memory_space<vmem>> -> memref<16x128xf32, #tpu.memory_space<vmem>>
        %dma_start3A_272 = arith.constant 0 : i32
        %dma_start3A_273 = arith.constant 0 : i32
        %dma_start3A_274 = tpu.memref_slice %arg8[%dma_start3A_272, %dma_start3A_273] : memref<1024x128xf32, #tpu.memory_space<vmem_shared>> -> memref<1024x128xf32, #tpu.memory_space<vmem_shared>>
        tpu.enqueue_indirect_dma source(%dma_start3A_271 : memref<16x128xf32, #tpu.memory_space<vmem>>) target(%dma_start3A_274 : memref<1024x128xf32, #tpu.memory_space<vmem_shared>>) offsets(%get3A_266 : vector<16xi32>) semaphore(%arg16 : memref<!tpu.dma_semaphore, #tpu.memory_space<semaphore_mem>>) {add = true}
        %mul3A_275 = arith.constant 160 : i32
        %mul3A_276 = arith.muli %add3A_177, %mul3A_275 : i32
        %add3A_277 = arith.constant 48 : i32
        %add3A_278 = arith.addi %mul3A_276, %add3A_277 : i32
        %get3A_279 = arith.index_cast %add3A_278 : i32 to index
        %get3A_280 = tpu.vector_load %arg6[%get3A_279] {strides = array<i32>} : memref<3200xi32, #tpu.memory_space<vmem>>, vector<16xi32>,
        %get3A_281 = vector.shape_cast %get3A_280 : vector<16xi32> to vector<16xi32>
        %dma_start3A_282 = arith.constant 2 : i32
        %dma_start3A_283 = arith.constant 48 : i32
        %dma_start3A_284 = arith.constant 0 : i32
        %dma_start3A_285 = tpu.memref_slice %arg5[%dma_start3A_282, %dma_start3A_283, %dma_start3A_284] : memref<5x160x128xf32, #tpu.memory_space<vmem>> -> memref<1x16x128xf32, #tpu.memory_space<vmem>>
        %dma_start3A_286 = tpu.memref_squeeze %dma_start3A_285 : memref<1x16x128xf32, #tpu.memory_space<vmem>> -> memref<16x128xf32, #tpu.memory_space<vmem>>
        %dma_start3A_287 = arith.constant 0 : i32
        %dma_start3A_288 = arith.constant 0 : i32
        %dma_start3A_289 = tpu.memref_slice %arg8[%dma_start3A_287, %dma_start3A_288] : memref<1024x128xf32, #tpu.memory_space<vmem_shared>> -> memref<1024x128xf32, #tpu.memory_space<vmem_shared>>
        tpu.enqueue_indirect_dma source(%dma_start3A_286 : memref<16x128xf32, #tpu.memory_space<vmem>>) target(%dma_start3A_289 : memref<1024x128xf32, #tpu.memory_space<vmem_shared>>) offsets(%get3A_281 : vector<16xi32>) semaphore(%arg16 : memref<!tpu.dma_semaphore, #tpu.memory_space<semaphore_mem>>) {add = true}
        %mul3A_290 = arith.constant 160 : i32
        %mul3A_291 = arith.muli %add3A_177, %mul3A_290 : i32
        %add3A_292 = arith.constant 64 : i32
        %add3A_293 = arith.addi %mul3A_291, %add3A_292 : i32
        %get3A_294 = arith.index_cast %add3A_293 : i32 to index
        %get3A_295 = tpu.vector_load %arg6[%get3A_294] {strides = array<i32>} : memref<3200xi32, #tpu.memory_space<vmem>>, vector<16xi32>,
        %get3A_296 = vector.shape_cast %get3A_295 : vector<16xi32> to vector<16xi32>
        %dma_start3A_297 = arith.constant 2 : i32
        %dma_start3A_298 = arith.constant 64 : i32
        %dma_start3A_299 = arith.constant 0 : i32
        %dma_start3A_300 = tpu.memref_slice %arg5[%dma_start3A_297, %dma_start3A_298, %dma_start3A_299] : memref<5x160x128xf32, #tpu.memory_space<vmem>> -> memref<1x16x128xf32, #tpu.memory_space<vmem>>
        %dma_start3A_301 = tpu.memref_squeeze %dma_start3A_300 : memref<1x16x128xf32, #tpu.memory_space<vmem>> -> memref<16x128xf32, #tpu.memory_space<vmem>>
        %dma_start3A_302 = arith.constant 0 : i32
        %dma_start3A_303 = arith.constant 0 : i32
        %dma_start3A_304 = tpu.memref_slice %arg8[%dma_start3A_302, %dma_start3A_303] : memref<1024x128xf32, #tpu.memory_space<vmem_shared>> -> memref<1024x128xf32, #tpu.memory_space<vmem_shared>>
        tpu.enqueue_indirect_dma source(%dma_start3A_301 : memref<16x128xf32, #tpu.memory_space<vmem>>) target(%dma_start3A_304 : memref<1024x128xf32, #tpu.memory_space<vmem_shared>>) offsets(%get3A_296 : vector<16xi32>) semaphore(%arg16 : memref<!tpu.dma_semaphore, #tpu.memory_space<semaphore_mem>>) {add = true}
        %mul3A_305 = arith.constant 160 : i32
        %mul3A_306 = arith.muli %add3A_177, %mul3A_305 : i32
        %add3A_307 = arith.constant 80 : i32
        %add3A_308 = arith.addi %mul3A_306, %add3A_307 : i32
        %get3A_309 = arith.index_cast %add3A_308 : i32 to index
        %get3A_310 = tpu.vector_load %arg6[%get3A_309] {strides = array<i32>} : memref<3200xi32, #tpu.memory_space<vmem>>, vector<16xi32>,
        %get3A_311 = vector.shape_cast %get3A_310 : vector<16xi32> to vector<16xi32>
        %dma_start3A_312 = arith.constant 2 : i32
        %dma_start3A_313 = arith.constant 80 : i32
        %dma_start3A_314 = arith.constant 0 : i32
        %dma_start3A_315 = tpu.memref_slice %arg5[%dma_start3A_312, %dma_start3A_313, %dma_start3A_314] : memref<5x160x128xf32, #tpu.memory_space<vmem>> -> memref<1x16x128xf32, #tpu.memory_space<vmem>>
        %dma_start3A_316 = tpu.memref_squeeze %dma_start3A_315 : memref<1x16x128xf32, #tpu.memory_space<vmem>> -> memref<16x128xf32, #tpu.memory_space<vmem>>
        %dma_start3A_317 = arith.constant 0 : i32
        %dma_start3A_318 = arith.constant 0 : i32
        %dma_start3A_319 = tpu.memref_slice %arg8[%dma_start3A_317, %dma_start3A_318] : memref<1024x128xf32, #tpu.memory_space<vmem_shared>> -> memref<1024x128xf32, #tpu.memory_space<vmem_shared>>
        tpu.enqueue_indirect_dma source(%dma_start3A_316 : memref<16x128xf32, #tpu.memory_space<vmem>>) target(%dma_start3A_319 : memref<1024x128xf32, #tpu.memory_space<vmem_shared>>) offsets(%get3A_311 : vector<16xi32>) semaphore(%arg16 : memref<!tpu.dma_semaphore, #tpu.memory_space<semaphore_mem>>) {add = true}
        %mul3A_320 = arith.constant 160 : i32
        %mul3A_321 = arith.muli %add3A_177, %mul3A_320 : i32
        %add3A_322 = arith.constant 96 : i32
        %add3A_323 = arith.addi %mul3A_321, %add3A_322 : i32
        %get3A_324 = arith.index_cast %add3A_323 : i32 to index
        %get3A_325 = tpu.vector_load %arg6[%get3A_324] {strides = array<i32>} : memref<3200xi32, #tpu.memory_space<vmem>>, vector<16xi32>,
        %get3A_326 = vector.shape_cast %get3A_325 : vector<16xi32> to vector<16xi32>
        %dma_start3A_327 = arith.constant 2 : i32
        %dma_start3A_328 = arith.constant 96 : i32
        %dma_start3A_329 = arith.constant 0 : i32
        %dma_start3A_330 = tpu.memref_slice %arg5[%dma_start3A_327, %dma_start3A_328, %dma_start3A_329] : memref<5x160x128xf32, #tpu.memory_space<vmem>> -> memref<1x16x128xf32, #tpu.memory_space<vmem>>
        %dma_start3A_331 = tpu.memref_squeeze %dma_start3A_330 : memref<1x16x128xf32, #tpu.memory_space<vmem>> -> memref<16x128xf32, #tpu.memory_space<vmem>>
        %dma_start3A_332 = arith.constant 0 : i32
        %dma_start3A_333 = arith.constant 0 : i32
        %dma_start3A_334 = tpu.memref_slice %arg8[%dma_start3A_332, %dma_start3A_333] : memref<1024x128xf32, #tpu.memory_space<vmem_shared>> -> memref<1024x128xf32, #tpu.memory_space<vmem_shared>>
        tpu.enqueue_indirect_dma source(%dma_start3A_331 : memref<16x128xf32, #tpu.memory_space<vmem>>) target(%dma_start3A_334 : memref<1024x128xf32, #tpu.memory_space<vmem_shared>>) offsets(%get3A_326 : vector<16xi32>) semaphore(%arg16 : memref<!tpu.dma_semaphore, #tpu.memory_space<semaphore_mem>>) {add = true}
        %mul3A_335 = arith.constant 160 : i32
        %mul3A_336 = arith.muli %add3A_177, %mul3A_335 : i32
        %add3A_337 = arith.constant 112 : i32
        %add3A_338 = arith.addi %mul3A_336, %add3A_337 : i32
        %get3A_339 = arith.index_cast %add3A_338 : i32 to index
        %get3A_340 = tpu.vector_load %arg6[%get3A_339] {strides = array<i32>} : memref<3200xi32, #tpu.memory_space<vmem>>, vector<16xi32>,
        %get3A_341 = vector.shape_cast %get3A_340 : vector<16xi32> to vector<16xi32>
        %dma_start3A_342 = arith.constant 2 : i32
        %dma_start3A_343 = arith.constant 112 : i32
        %dma_start3A_344 = arith.constant 0 : i32
        %dma_start3A_345 = tpu.memref_slice %arg5[%dma_start3A_342, %dma_start3A_343, %dma_start3A_344] : memref<5x160x128xf32, #tpu.memory_space<vmem>> -> memref<1x16x128xf32, #tpu.memory_space<vmem>>
        %dma_start3A_346 = tpu.memref_squeeze %dma_start3A_345 : memref<1x16x128xf32, #tpu.memory_space<vmem>> -> memref<16x128xf32, #tpu.memory_space<vmem>>
        %dma_start3A_347 = arith.constant 0 : i32
        %dma_start3A_348 = arith.constant 0 : i32
        %dma_start3A_349 = tpu.memref_slice %arg8[%dma_start3A_347, %dma_start3A_348] : memref<1024x128xf32, #tpu.memory_space<vmem_shared>> -> memref<1024x128xf32, #tpu.memory_space<vmem_shared>>
        tpu.enqueue_indirect_dma source(%dma_start3A_346 : memref<16x128xf32, #tpu.memory_space<vmem>>) target(%dma_start3A_349 : memref<1024x128xf32, #tpu.memory_space<vmem_shared>>) offsets(%get3A_341 : vector<16xi32>) semaphore(%arg16 : memref<!tpu.dma_semaphore, #tpu.memory_space<semaphore_mem>>) {add = true}
        %mul3A_350 = arith.constant 160 : i32
        %mul3A_351 = arith.muli %add3A_177, %mul3A_350 : i32
        %add3A_352 = arith.constant 128 : i32
        %add3A_353 = arith.addi %mul3A_351, %add3A_352 : i32
        %get3A_354 = arith.index_cast %add3A_353 : i32 to index
        %get3A_355 = tpu.vector_load %arg6[%get3A_354] {strides = array<i32>} : memref<3200xi32, #tpu.memory_space<vmem>>, vector<16xi32>,
        %get3A_356 = vector.shape_cast %get3A_355 : vector<16xi32> to vector<16xi32>
        %dma_start3A_357 = arith.constant 2 : i32
        %dma_start3A_358 = arith.constant 128 : i32
        %dma_start3A_359 = arith.constant 0 : i32
        %dma_start3A_360 = tpu.memref_slice %arg5[%dma_start3A_357, %dma_start3A_358, %dma_start3A_359] : memref<5x160x128xf32, #tpu.memory_space<vmem>> -> memref<1x16x128xf32, #tpu.memory_space<vmem>>
        %dma_start3A_361 = tpu.memref_squeeze %dma_start3A_360 : memref<1x16x128xf32, #tpu.memory_space<vmem>> -> memref<16x128xf32, #tpu.memory_space<vmem>>
        %dma_start3A_362 = arith.constant 0 : i32
        %dma_start3A_363 = arith.constant 0 : i32
        %dma_start3A_364 = tpu.memref_slice %arg8[%dma_start3A_362, %dma_start3A_363] : memref<1024x128xf32, #tpu.memory_space<vmem_shared>> -> memref<1024x128xf32, #tpu.memory_space<vmem_shared>>
        tpu.enqueue_indirect_dma source(%dma_start3A_361 : memref<16x128xf32, #tpu.memory_space<vmem>>) target(%dma_start3A_364 : memref<1024x128xf32, #tpu.memory_space<vmem_shared>>) offsets(%get3A_356 : vector<16xi32>) semaphore(%arg16 : memref<!tpu.dma_semaphore, #tpu.memory_space<semaphore_mem>>) {add = true}
        %mul3A_365 = arith.constant 160 : i32
        %mul3A_366 = arith.muli %add3A_177, %mul3A_365 : i32
        %add3A_367 = arith.constant 144 : i32
        %add3A_368 = arith.addi %mul3A_366, %add3A_367 : i32
        %get3A_369 = arith.index_cast %add3A_368 : i32 to index
        %get3A_370 = tpu.vector_load %arg6[%get3A_369] {strides = array<i32>} : memref<3200xi32, #tpu.memory_space<vmem>>, vector<16xi32>,
        %get3A_371 = vector.shape_cast %get3A_370 : vector<16xi32> to vector<16xi32>
        %dma_start3A_372 = arith.constant 2 : i32
        %dma_start3A_373 = arith.constant 144 : i32
        %dma_start3A_374 = arith.constant 0 : i32
        %dma_start3A_375 = tpu.memref_slice %arg5[%dma_start3A_372, %dma_start3A_373, %dma_start3A_374] : memref<5x160x128xf32, #tpu.memory_space<vmem>> -> memref<1x16x128xf32, #tpu.memory_space<vmem>>
        %dma_start3A_376 = tpu.memref_squeeze %dma_start3A_375 : memref<1x16x128xf32, #tpu.memory_space<vmem>> -> memref<16x128xf32, #tpu.memory_space<vmem>>
        %dma_start3A_377 = arith.constant 0 : i32
        %dma_start3A_378 = arith.constant 0 : i32
        %dma_start3A_379 = tpu.memref_slice %arg8[%dma_start3A_377, %dma_start3A_378] : memref<1024x128xf32, #tpu.memory_space<vmem_shared>> -> memref<1024x128xf32, #tpu.memory_space<vmem_shared>>
        tpu.enqueue_indirect_dma source(%dma_start3A_376 : memref<16x128xf32, #tpu.memory_space<vmem>>) target(%dma_start3A_379 : memref<1024x128xf32, #tpu.memory_space<vmem_shared>>) offsets(%get3A_371 : vector<16xi32>) semaphore(%arg16 : memref<!tpu.dma_semaphore, #tpu.memory_space<semaphore_mem>>) {add = true}
      } else {
      }
      %mul3A_182 = arith.constant 5 : i32
      %mul3A_183 = arith.muli %mul3A_182, %scan3A_157 : i32
      %add3A_184 = arith.constant 3 : i32
      %add3A_185 = arith.addi %mul3A_183, %add3A_184 : i32
      %lt3A_186 = arith.cmpi slt, %add3A_185, %select_n3A_12 : i32
      %convert_element_type3A_187 = arith.extui %lt3A_186 : i1 to i32
      %cond3A_188 = arith.constant 0 : i32
      %cond3A_189 = arith.cmpi ne, %convert_element_type3A_187, %cond3A_188 : i32
      scf.if %cond3A_189 {
        %ge3A = arith.constant 3 : i32
        %ge3A_198 = arith.cmpi sge, %add3A_185, %ge3A : i32
        %add3A_199 = arith.constant 5 : i32
        %add3A_200 = arith.addi %add3A_185, %add3A_199 : i32
        %sub3A_201 = arith.constant 3 : i32
        %sub3A_202 = arith.subi %add3A_200, %sub3A_201 : i32
        %lt3A_203 = arith.cmpi slt, %sub3A_202, %select_n3A_12 : i32
        %and3A = arith.andi %ge3A_198, %lt3A_203 : i1
        %convert_element_type3A_204 = arith.extui %and3A : i1 to i32
        %cond3A_205 = arith.constant 0 : i32
        %cond3A_206 = arith.cmpi ne, %convert_element_type3A_204, %cond3A_205 : i32
        scf.if %cond3A_206 {
          %dma_wait3A_380 = arith.constant 0 : i32
          %dma_wait3A_381 = arith.constant 0 : i32
          %dma_wait3A_382 = arith.constant 0 : i32
          %dma_wait3A_383 = tpu.memref_slice %arg5[%dma_wait3A_380, %dma_wait3A_381, %dma_wait3A_382] : memref<5x160x128xf32, #tpu.memory_space<vmem>> -> memref<1x160x128xf32, #tpu.memory_space<vmem>>
          %dma_wait3A_384 = tpu.memref_squeeze %dma_wait3A_383 : memref<1x160x128xf32, #tpu.memory_space<vmem>> -> memref<160x128xf32, #tpu.memory_space<vmem>>
          %dma_wait3A_385 = arith.constant 0 : i32
          %dma_wait3A_386 = arith.constant 0 : i32
          %dma_wait3A_387 = tpu.memref_slice %arg8[%dma_wait3A_385, %dma_wait3A_386] : memref<1024x128xf32, #tpu.memory_space<vmem_shared>> -> memref<160x128xf32, #tpu.memory_space<vmem_shared>>
          %dma_wait3A_388 = arith.constant 0 : i32
          %dma_wait3A_389 = arith.constant 0 : i32
          %dma_wait3A_390 = tpu.memref_slice %arg8[%dma_wait3A_388, %dma_wait3A_389] : memref<1024x128xf32, #tpu.memory_space<vmem_shared>> -> memref<160x128xf32, #tpu.memory_space<vmem_shared>>
          %dma_wait3A_391 = arith.constant 0 : i32
          %dma_wait3A_392 = arith.constant 0 : i32
          %dma_wait3A_393 = tpu.memref_slice %arg5[%dma_wait3A_380, %dma_wait3A_391, %dma_wait3A_392] : memref<5x160x128xf32, #tpu.memory_space<vmem>> -> memref<1x160x128xf32, #tpu.memory_space<vmem>>
          %dma_wait3A_394 = tpu.memref_squeeze %dma_wait3A_393 : memref<1x160x128xf32, #tpu.memory_space<vmem>> -> memref<160x128xf32, #tpu.memory_space<vmem>>
          tpu.wait_dma2 semaphore(%arg14 : memref<!tpu.dma_semaphore, #tpu.memory_space<semaphore_mem>>) src(%dma_wait3A_394 : memref<160x128xf32, #tpu.memory_space<vmem>>) dst(%dma_wait3A_390 : memref<160x128xf32, #tpu.memory_space<vmem_shared>>)
        } else {
        }
        %add3A_207 = arith.constant 5 : i32
        %add3A_208 = arith.addi %add3A_185, %add3A_207 : i32
        %sub3A_209 = arith.constant 3 : i32
        %sub3A_210 = arith.subi %add3A_208, %sub3A_209 : i32
        %lt3A_211 = arith.cmpi slt, %sub3A_210, %select_n3A_12 : i32
        %convert_element_type3A_212 = arith.extui %lt3A_211 : i1 to i32
        %cond3A_213 = arith.constant 0 : i32
        %cond3A_214 = arith.cmpi ne, %convert_element_type3A_212, %cond3A_213 : i32
        scf.if %cond3A_214 {
          %add3A_380 = arith.constant 5 : i32
          %add3A_381 = arith.addi %add3A_185, %add3A_380 : i32
          %sub3A_382 = arith.constant 3 : i32
          %sub3A_383 = arith.subi %add3A_381, %sub3A_382 : i32
          %mul3A_384 = arith.constant 160 : i32
          %mul3A_385 = arith.muli %sub3A_383, %mul3A_384 : i32
          %add3A_386 = arith.addi %select_n3A, %mul3A_385 : i32
          %dma_start3A_387 = arith.constant 0 : i32
          %dma_start3A_388 = arith.constant 0 : i32
          %dma_start3A_389 = arith.constant 0 : i32
          %dma_start3A_390 = tpu.memref_slice %arg5[%dma_start3A_387, %dma_start3A_388, %dma_start3A_389] : memref<5x160x128xf32, #tpu.memory_space<vmem>> -> memref<1x160x128xf32, #tpu.memory_space<vmem>>
          %dma_start3A_391 = tpu.memref_squeeze %dma_start3A_390 : memref<1x160x128xf32, #tpu.memory_space<vmem>> -> memref<160x128xf32, #tpu.memory_space<vmem>>
          %dma_start3A_392 = arith.constant 0 : i32
          %dma_start3A_393 = tpu.memref_slice %arg2[%add3A_386, %dma_start3A_392] : memref<100000x128xf32, #tpu.memory_space<hbm>> -> memref<160x128xf32, #tpu.memory_space<hbm>>
          %dma_start3A_394 = arith.constant 0 : i32
          %dma_start3A_395 = arith.constant 0 : i32
          %dma_start3A_396 = tpu.memref_slice %arg5[%dma_start3A_387, %dma_start3A_394, %dma_start3A_395] : memref<5x160x128xf32, #tpu.memory_space<vmem>> -> memref<1x160x128xf32, #tpu.memory_space<vmem>>
          %dma_start3A_397 = tpu.memref_squeeze %dma_start3A_396 : memref<1x160x128xf32, #tpu.memory_space<vmem>> -> memref<160x128xf32, #tpu.memory_space<vmem>>
          %dma_start3A_398 = arith.constant 0 : i32
          %dma_start3A_399 = tpu.memref_slice %arg2[%add3A_386, %dma_start3A_398] : memref<100000x128xf32, #tpu.memory_space<hbm>> -> memref<160x128xf32, #tpu.memory_space<hbm>>
          tpu.enqueue_dma source(%dma_start3A_399 : memref<160x128xf32, #tpu.memory_space<hbm>>) target(%dma_start3A_397 : memref<160x128xf32, #tpu.memory_space<vmem>>) target_semaphore(%arg9 : memref<!tpu.dma_semaphore, #tpu.memory_space<semaphore_mem>>)
        } else {
        }
        %mul3A_215 = arith.constant 160 : i32
        %mul3A_216 = arith.muli %add3A_185, %mul3A_215 : i32
        %add3A_217 = arith.addi %select_n3A, %mul3A_216 : i32
        %dma_wait3A_218 = arith.constant 3 : i32
        %dma_wait3A_219 = arith.constant 0 : i32
        %dma_wait3A_220 = arith.constant 0 : i32
        %dma_wait3A_221 = tpu.memref_slice %arg5[%dma_wait3A_218, %dma_wait3A_219, %dma_wait3A_220] : memref<5x160x128xf32, #tpu.memory_space<vmem>> -> memref<1x160x128xf32, #tpu.memory_space<vmem>>
        %dma_wait3A_222 = tpu.memref_squeeze %dma_wait3A_221 : memref<1x160x128xf32, #tpu.memory_space<vmem>> -> memref<160x128xf32, #tpu.memory_space<vmem>>
        %dma_wait3A_223 = arith.constant 0 : i32
        %dma_wait3A_224 = tpu.memref_slice %arg2[%add3A_217, %dma_wait3A_223] : memref<100000x128xf32, #tpu.memory_space<hbm>> -> memref<160x128xf32, #tpu.memory_space<hbm>>
        %dma_wait3A_225 = arith.constant 0 : i32
        %dma_wait3A_226 = arith.constant 0 : i32
        %dma_wait3A_227 = tpu.memref_slice %arg5[%dma_wait3A_218, %dma_wait3A_225, %dma_wait3A_226] : memref<5x160x128xf32, #tpu.memory_space<vmem>> -> memref<1x160x128xf32, #tpu.memory_space<vmem>>
        %dma_wait3A_228 = tpu.memref_squeeze %dma_wait3A_227 : memref<1x160x128xf32, #tpu.memory_space<vmem>> -> memref<160x128xf32, #tpu.memory_space<vmem>>
        %dma_wait3A_229 = arith.constant 0 : i32
        %dma_wait3A_230 = tpu.memref_slice %arg2[%add3A_217, %dma_wait3A_229] : memref<100000x128xf32, #tpu.memory_space<hbm>> -> memref<160x128xf32, #tpu.memory_space<hbm>>
        tpu.wait_dma2 semaphore(%arg12 : memref<!tpu.dma_semaphore, #tpu.memory_space<semaphore_mem>>) src(%dma_wait3A_230 : memref<160x128xf32, #tpu.memory_space<hbm>>) dst(%dma_wait3A_228 : memref<160x128xf32, #tpu.memory_space<vmem>>)
        %mul3A_231 = arith.constant 160 : i32
        %mul3A_232 = arith.muli %add3A_185, %mul3A_231 : i32
        %add3A_233 = arith.constant 0 : i32
        %add3A_234 = arith.addi %mul3A_232, %add3A_233 : i32
        %get3A = arith.index_cast %add3A_234 : i32 to index
        %get3A_235 = tpu.vector_load %arg6[%get3A] {strides = array<i32>} : memref<3200xi32, #tpu.memory_space<vmem>>, vector<16xi32>,
        %get3A_236 = vector.shape_cast %get3A_235 : vector<16xi32> to vector<16xi32>
        %dma_start3A_237 = arith.constant 3 : i32
        %dma_start3A_238 = arith.constant 0 : i32
        %dma_start3A_239 = arith.constant 0 : i32
        %dma_start3A_240 = tpu.memref_slice %arg5[%dma_start3A_237, %dma_start3A_238, %dma_start3A_239] : memref<5x160x128xf32, #tpu.memory_space<vmem>> -> memref<1x16x128xf32, #tpu.memory_space<vmem>>
        %dma_start3A_241 = tpu.memref_squeeze %dma_start3A_240 : memref<1x16x128xf32, #tpu.memory_space<vmem>> -> memref<16x128xf32, #tpu.memory_space<vmem>>
        %dma_start3A_242 = arith.constant 0 : i32
        %dma_start3A_243 = arith.constant 0 : i32
        %dma_start3A_244 = tpu.memref_slice %arg8[%dma_start3A_242, %dma_start3A_243] : memref<1024x128xf32, #tpu.memory_space<vmem_shared>> -> memref<1024x128xf32, #tpu.memory_space<vmem_shared>>
        tpu.enqueue_indirect_dma source(%dma_start3A_241 : memref<16x128xf32, #tpu.memory_space<vmem>>) target(%dma_start3A_244 : memref<1024x128xf32, #tpu.memory_space<vmem_shared>>) offsets(%get3A_236 : vector<16xi32>) semaphore(%arg17 : memref<!tpu.dma_semaphore, #tpu.memory_space<semaphore_mem>>) {add = true}
        %mul3A_245 = arith.constant 160 : i32
        %mul3A_246 = arith.muli %add3A_185, %mul3A_245 : i32
        %add3A_247 = arith.constant 16 : i32
        %add3A_248 = arith.addi %mul3A_246, %add3A_247 : i32
        %get3A_249 = arith.index_cast %add3A_248 : i32 to index
        %get3A_250 = tpu.vector_load %arg6[%get3A_249] {strides = array<i32>} : memref<3200xi32, #tpu.memory_space<vmem>>, vector<16xi32>,
        %get3A_251 = vector.shape_cast %get3A_250 : vector<16xi32> to vector<16xi32>
        %dma_start3A_252 = arith.constant 3 : i32
        %dma_start3A_253 = arith.constant 16 : i32
        %dma_start3A_254 = arith.constant 0 : i32
        %dma_start3A_255 = tpu.memref_slice %arg5[%dma_start3A_252, %dma_start3A_253, %dma_start3A_254] : memref<5x160x128xf32, #tpu.memory_space<vmem>> -> memref<1x16x128xf32, #tpu.memory_space<vmem>>
        %dma_start3A_256 = tpu.memref_squeeze %dma_start3A_255 : memref<1x16x128xf32, #tpu.memory_space<vmem>> -> memref<16x128xf32, #tpu.memory_space<vmem>>
        %dma_start3A_257 = arith.constant 0 : i32
        %dma_start3A_258 = arith.constant 0 : i32
        %dma_start3A_259 = tpu.memref_slice %arg8[%dma_start3A_257, %dma_start3A_258] : memref<1024x128xf32, #tpu.memory_space<vmem_shared>> -> memref<1024x128xf32, #tpu.memory_space<vmem_shared>>
        tpu.enqueue_indirect_dma source(%dma_start3A_256 : memref<16x128xf32, #tpu.memory_space<vmem>>) target(%dma_start3A_259 : memref<1024x128xf32, #tpu.memory_space<vmem_shared>>) offsets(%get3A_251 : vector<16xi32>) semaphore(%arg17 : memref<!tpu.dma_semaphore, #tpu.memory_space<semaphore_mem>>) {add = true}
        %mul3A_260 = arith.constant 160 : i32
        %mul3A_261 = arith.muli %add3A_185, %mul3A_260 : i32
        %add3A_262 = arith.constant 32 : i32
        %add3A_263 = arith.addi %mul3A_261, %add3A_262 : i32
        %get3A_264 = arith.index_cast %add3A_263 : i32 to index
        %get3A_265 = tpu.vector_load %arg6[%get3A_264] {strides = array<i32>} : memref<3200xi32, #tpu.memory_space<vmem>>, vector<16xi32>,
        %get3A_266 = vector.shape_cast %get3A_265 : vector<16xi32> to vector<16xi32>
        %dma_start3A_267 = arith.constant 3 : i32
        %dma_start3A_268 = arith.constant 32 : i32
        %dma_start3A_269 = arith.constant 0 : i32
        %dma_start3A_270 = tpu.memref_slice %arg5[%dma_start3A_267, %dma_start3A_268, %dma_start3A_269] : memref<5x160x128xf32, #tpu.memory_space<vmem>> -> memref<1x16x128xf32, #tpu.memory_space<vmem>>
        %dma_start3A_271 = tpu.memref_squeeze %dma_start3A_270 : memref<1x16x128xf32, #tpu.memory_space<vmem>> -> memref<16x128xf32, #tpu.memory_space<vmem>>
        %dma_start3A_272 = arith.constant 0 : i32
        %dma_start3A_273 = arith.constant 0 : i32
        %dma_start3A_274 = tpu.memref_slice %arg8[%dma_start3A_272, %dma_start3A_273] : memref<1024x128xf32, #tpu.memory_space<vmem_shared>> -> memref<1024x128xf32, #tpu.memory_space<vmem_shared>>
        tpu.enqueue_indirect_dma source(%dma_start3A_271 : memref<16x128xf32, #tpu.memory_space<vmem>>) target(%dma_start3A_274 : memref<1024x128xf32, #tpu.memory_space<vmem_shared>>) offsets(%get3A_266 : vector<16xi32>) semaphore(%arg17 : memref<!tpu.dma_semaphore, #tpu.memory_space<semaphore_mem>>) {add = true}
        %mul3A_275 = arith.constant 160 : i32
        %mul3A_276 = arith.muli %add3A_185, %mul3A_275 : i32
        %add3A_277 = arith.constant 48 : i32
        %add3A_278 = arith.addi %mul3A_276, %add3A_277 : i32
        %get3A_279 = arith.index_cast %add3A_278 : i32 to index
        %get3A_280 = tpu.vector_load %arg6[%get3A_279] {strides = array<i32>} : memref<3200xi32, #tpu.memory_space<vmem>>, vector<16xi32>,
        %get3A_281 = vector.shape_cast %get3A_280 : vector<16xi32> to vector<16xi32>
        %dma_start3A_282 = arith.constant 3 : i32
        %dma_start3A_283 = arith.constant 48 : i32
        %dma_start3A_284 = arith.constant 0 : i32
        %dma_start3A_285 = tpu.memref_slice %arg5[%dma_start3A_282, %dma_start3A_283, %dma_start3A_284] : memref<5x160x128xf32, #tpu.memory_space<vmem>> -> memref<1x16x128xf32, #tpu.memory_space<vmem>>
        %dma_start3A_286 = tpu.memref_squeeze %dma_start3A_285 : memref<1x16x128xf32, #tpu.memory_space<vmem>> -> memref<16x128xf32, #tpu.memory_space<vmem>>
        %dma_start3A_287 = arith.constant 0 : i32
        %dma_start3A_288 = arith.constant 0 : i32
        %dma_start3A_289 = tpu.memref_slice %arg8[%dma_start3A_287, %dma_start3A_288] : memref<1024x128xf32, #tpu.memory_space<vmem_shared>> -> memref<1024x128xf32, #tpu.memory_space<vmem_shared>>
        tpu.enqueue_indirect_dma source(%dma_start3A_286 : memref<16x128xf32, #tpu.memory_space<vmem>>) target(%dma_start3A_289 : memref<1024x128xf32, #tpu.memory_space<vmem_shared>>) offsets(%get3A_281 : vector<16xi32>) semaphore(%arg17 : memref<!tpu.dma_semaphore, #tpu.memory_space<semaphore_mem>>) {add = true}
        %mul3A_290 = arith.constant 160 : i32
        %mul3A_291 = arith.muli %add3A_185, %mul3A_290 : i32
        %add3A_292 = arith.constant 64 : i32
        %add3A_293 = arith.addi %mul3A_291, %add3A_292 : i32
        %get3A_294 = arith.index_cast %add3A_293 : i32 to index
        %get3A_295 = tpu.vector_load %arg6[%get3A_294] {strides = array<i32>} : memref<3200xi32, #tpu.memory_space<vmem>>, vector<16xi32>,
        %get3A_296 = vector.shape_cast %get3A_295 : vector<16xi32> to vector<16xi32>
        %dma_start3A_297 = arith.constant 3 : i32
        %dma_start3A_298 = arith.constant 64 : i32
        %dma_start3A_299 = arith.constant 0 : i32
        %dma_start3A_300 = tpu.memref_slice %arg5[%dma_start3A_297, %dma_start3A_298, %dma_start3A_299] : memref<5x160x128xf32, #tpu.memory_space<vmem>> -> memref<1x16x128xf32, #tpu.memory_space<vmem>>
        %dma_start3A_301 = tpu.memref_squeeze %dma_start3A_300 : memref<1x16x128xf32, #tpu.memory_space<vmem>> -> memref<16x128xf32, #tpu.memory_space<vmem>>
        %dma_start3A_302 = arith.constant 0 : i32
        %dma_start3A_303 = arith.constant 0 : i32
        %dma_start3A_304 = tpu.memref_slice %arg8[%dma_start3A_302, %dma_start3A_303] : memref<1024x128xf32, #tpu.memory_space<vmem_shared>> -> memref<1024x128xf32, #tpu.memory_space<vmem_shared>>
        tpu.enqueue_indirect_dma source(%dma_start3A_301 : memref<16x128xf32, #tpu.memory_space<vmem>>) target(%dma_start3A_304 : memref<1024x128xf32, #tpu.memory_space<vmem_shared>>) offsets(%get3A_296 : vector<16xi32>) semaphore(%arg17 : memref<!tpu.dma_semaphore, #tpu.memory_space<semaphore_mem>>) {add = true}
        %mul3A_305 = arith.constant 160 : i32
        %mul3A_306 = arith.muli %add3A_185, %mul3A_305 : i32
        %add3A_307 = arith.constant 80 : i32
        %add3A_308 = arith.addi %mul3A_306, %add3A_307 : i32
        %get3A_309 = arith.index_cast %add3A_308 : i32 to index
        %get3A_310 = tpu.vector_load %arg6[%get3A_309] {strides = array<i32>} : memref<3200xi32, #tpu.memory_space<vmem>>, vector<16xi32>,
        %get3A_311 = vector.shape_cast %get3A_310 : vector<16xi32> to vector<16xi32>
        %dma_start3A_312 = arith.constant 3 : i32
        %dma_start3A_313 = arith.constant 80 : i32
        %dma_start3A_314 = arith.constant 0 : i32
        %dma_start3A_315 = tpu.memref_slice %arg5[%dma_start3A_312, %dma_start3A_313, %dma_start3A_314] : memref<5x160x128xf32, #tpu.memory_space<vmem>> -> memref<1x16x128xf32, #tpu.memory_space<vmem>>
        %dma_start3A_316 = tpu.memref_squeeze %dma_start3A_315 : memref<1x16x128xf32, #tpu.memory_space<vmem>> -> memref<16x128xf32, #tpu.memory_space<vmem>>
        %dma_start3A_317 = arith.constant 0 : i32
        %dma_start3A_318 = arith.constant 0 : i32
        %dma_start3A_319 = tpu.memref_slice %arg8[%dma_start3A_317, %dma_start3A_318] : memref<1024x128xf32, #tpu.memory_space<vmem_shared>> -> memref<1024x128xf32, #tpu.memory_space<vmem_shared>>
        tpu.enqueue_indirect_dma source(%dma_start3A_316 : memref<16x128xf32, #tpu.memory_space<vmem>>) target(%dma_start3A_319 : memref<1024x128xf32, #tpu.memory_space<vmem_shared>>) offsets(%get3A_311 : vector<16xi32>) semaphore(%arg17 : memref<!tpu.dma_semaphore, #tpu.memory_space<semaphore_mem>>) {add = true}
        %mul3A_320 = arith.constant 160 : i32
        %mul3A_321 = arith.muli %add3A_185, %mul3A_320 : i32
        %add3A_322 = arith.constant 96 : i32
        %add3A_323 = arith.addi %mul3A_321, %add3A_322 : i32
        %get3A_324 = arith.index_cast %add3A_323 : i32 to index
        %get3A_325 = tpu.vector_load %arg6[%get3A_324] {strides = array<i32>} : memref<3200xi32, #tpu.memory_space<vmem>>, vector<16xi32>,
        %get3A_326 = vector.shape_cast %get3A_325 : vector<16xi32> to vector<16xi32>
        %dma_start3A_327 = arith.constant 3 : i32
        %dma_start3A_328 = arith.constant 96 : i32
        %dma_start3A_329 = arith.constant 0 : i32
        %dma_start3A_330 = tpu.memref_slice %arg5[%dma_start3A_327, %dma_start3A_328, %dma_start3A_329] : memref<5x160x128xf32, #tpu.memory_space<vmem>> -> memref<1x16x128xf32, #tpu.memory_space<vmem>>
        %dma_start3A_331 = tpu.memref_squeeze %dma_start3A_330 : memref<1x16x128xf32, #tpu.memory_space<vmem>> -> memref<16x128xf32, #tpu.memory_space<vmem>>
        %dma_start3A_332 = arith.constant 0 : i32
        %dma_start3A_333 = arith.constant 0 : i32
        %dma_start3A_334 = tpu.memref_slice %arg8[%dma_start3A_332, %dma_start3A_333] : memref<1024x128xf32, #tpu.memory_space<vmem_shared>> -> memref<1024x128xf32, #tpu.memory_space<vmem_shared>>
        tpu.enqueue_indirect_dma source(%dma_start3A_331 : memref<16x128xf32, #tpu.memory_space<vmem>>) target(%dma_start3A_334 : memref<1024x128xf32, #tpu.memory_space<vmem_shared>>) offsets(%get3A_326 : vector<16xi32>) semaphore(%arg17 : memref<!tpu.dma_semaphore, #tpu.memory_space<semaphore_mem>>) {add = true}
        %mul3A_335 = arith.constant 160 : i32
        %mul3A_336 = arith.muli %add3A_185, %mul3A_335 : i32
        %add3A_337 = arith.constant 112 : i32
        %add3A_338 = arith.addi %mul3A_336, %add3A_337 : i32
        %get3A_339 = arith.index_cast %add3A_338 : i32 to index
        %get3A_340 = tpu.vector_load %arg6[%get3A_339] {strides = array<i32>} : memref<3200xi32, #tpu.memory_space<vmem>>, vector<16xi32>,
        %get3A_341 = vector.shape_cast %get3A_340 : vector<16xi32> to vector<16xi32>
        %dma_start3A_342 = arith.constant 3 : i32
        %dma_start3A_343 = arith.constant 112 : i32
        %dma_start3A_344 = arith.constant 0 : i32
        %dma_start3A_345 = tpu.memref_slice %arg5[%dma_start3A_342, %dma_start3A_343, %dma_start3A_344] : memref<5x160x128xf32, #tpu.memory_space<vmem>> -> memref<1x16x128xf32, #tpu.memory_space<vmem>>
        %dma_start3A_346 = tpu.memref_squeeze %dma_start3A_345 : memref<1x16x128xf32, #tpu.memory_space<vmem>> -> memref<16x128xf32, #tpu.memory_space<vmem>>
        %dma_start3A_347 = arith.constant 0 : i32
        %dma_start3A_348 = arith.constant 0 : i32
        %dma_start3A_349 = tpu.memref_slice %arg8[%dma_start3A_347, %dma_start3A_348] : memref<1024x128xf32, #tpu.memory_space<vmem_shared>> -> memref<1024x128xf32, #tpu.memory_space<vmem_shared>>
        tpu.enqueue_indirect_dma source(%dma_start3A_346 : memref<16x128xf32, #tpu.memory_space<vmem>>) target(%dma_start3A_349 : memref<1024x128xf32, #tpu.memory_space<vmem_shared>>) offsets(%get3A_341 : vector<16xi32>) semaphore(%arg17 : memref<!tpu.dma_semaphore, #tpu.memory_space<semaphore_mem>>) {add = true}
        %mul3A_350 = arith.constant 160 : i32
        %mul3A_351 = arith.muli %add3A_185, %mul3A_350 : i32
        %add3A_352 = arith.constant 128 : i32
        %add3A_353 = arith.addi %mul3A_351, %add3A_352 : i32
        %get3A_354 = arith.index_cast %add3A_353 : i32 to index
        %get3A_355 = tpu.vector_load %arg6[%get3A_354] {strides = array<i32>} : memref<3200xi32, #tpu.memory_space<vmem>>, vector<16xi32>,
        %get3A_356 = vector.shape_cast %get3A_355 : vector<16xi32> to vector<16xi32>
        %dma_start3A_357 = arith.constant 3 : i32
        %dma_start3A_358 = arith.constant 128 : i32
        %dma_start3A_359 = arith.constant 0 : i32
        %dma_start3A_360 = tpu.memref_slice %arg5[%dma_start3A_357, %dma_start3A_358, %dma_start3A_359] : memref<5x160x128xf32, #tpu.memory_space<vmem>> -> memref<1x16x128xf32, #tpu.memory_space<vmem>>
        %dma_start3A_361 = tpu.memref_squeeze %dma_start3A_360 : memref<1x16x128xf32, #tpu.memory_space<vmem>> -> memref<16x128xf32, #tpu.memory_space<vmem>>
        %dma_start3A_362 = arith.constant 0 : i32
        %dma_start3A_363 = arith.constant 0 : i32
        %dma_start3A_364 = tpu.memref_slice %arg8[%dma_start3A_362, %dma_start3A_363] : memref<1024x128xf32, #tpu.memory_space<vmem_shared>> -> memref<1024x128xf32, #tpu.memory_space<vmem_shared>>
        tpu.enqueue_indirect_dma source(%dma_start3A_361 : memref<16x128xf32, #tpu.memory_space<vmem>>) target(%dma_start3A_364 : memref<1024x128xf32, #tpu.memory_space<vmem_shared>>) offsets(%get3A_356 : vector<16xi32>) semaphore(%arg17 : memref<!tpu.dma_semaphore, #tpu.memory_space<semaphore_mem>>) {add = true}
        %mul3A_365 = arith.constant 160 : i32
        %mul3A_366 = arith.muli %add3A_185, %mul3A_365 : i32
        %add3A_367 = arith.constant 144 : i32
        %add3A_368 = arith.addi %mul3A_366, %add3A_367 : i32
        %get3A_369 = arith.index_cast %add3A_368 : i32 to index
        %get3A_370 = tpu.vector_load %arg6[%get3A_369] {strides = array<i32>} : memref<3200xi32, #tpu.memory_space<vmem>>, vector<16xi32>,
        %get3A_371 = vector.shape_cast %get3A_370 : vector<16xi32> to vector<16xi32>
        %dma_start3A_372 = arith.constant 3 : i32
        %dma_start3A_373 = arith.constant 144 : i32
        %dma_start3A_374 = arith.constant 0 : i32
        %dma_start3A_375 = tpu.memref_slice %arg5[%dma_start3A_372, %dma_start3A_373, %dma_start3A_374] : memref<5x160x128xf32, #tpu.memory_space<vmem>> -> memref<1x16x128xf32, #tpu.memory_space<vmem>>
        %dma_start3A_376 = tpu.memref_squeeze %dma_start3A_375 : memref<1x16x128xf32, #tpu.memory_space<vmem>> -> memref<16x128xf32, #tpu.memory_space<vmem>>
        %dma_start3A_377 = arith.constant 0 : i32
        %dma_start3A_378 = arith.constant 0 : i32
        %dma_start3A_379 = tpu.memref_slice %arg8[%dma_start3A_377, %dma_start3A_378] : memref<1024x128xf32, #tpu.memory_space<vmem_shared>> -> memref<1024x128xf32, #tpu.memory_space<vmem_shared>>
        tpu.enqueue_indirect_dma source(%dma_start3A_376 : memref<16x128xf32, #tpu.memory_space<vmem>>) target(%dma_start3A_379 : memref<1024x128xf32, #tpu.memory_space<vmem_shared>>) offsets(%get3A_371 : vector<16xi32>) semaphore(%arg17 : memref<!tpu.dma_semaphore, #tpu.memory_space<semaphore_mem>>) {add = true}
      } else {
      }
      %mul3A_190 = arith.constant 5 : i32
      %mul3A_191 = arith.muli %mul3A_190, %scan3A_157 : i32
      %add3A_192 = arith.constant 4 : i32
      %add3A_193 = arith.addi %mul3A_191, %add3A_192 : i32
      %lt3A_194 = arith.cmpi slt, %add3A_193, %select_n3A_12 : i32
      %convert_element_type3A_195 = arith.extui %lt3A_194 : i1 to i32
      %cond3A_196 = arith.constant 0 : i32
      %cond3A_197 = arith.cmpi ne, %convert_element_type3A_195, %cond3A_196 : i32
      scf.if %cond3A_197 {
        %ge3A = arith.constant 3 : i32
        %ge3A_198 = arith.cmpi sge, %add3A_193, %ge3A : i32
        %add3A_199 = arith.constant 5 : i32
        %add3A_200 = arith.addi %add3A_193, %add3A_199 : i32
        %sub3A_201 = arith.constant 3 : i32
        %sub3A_202 = arith.subi %add3A_200, %sub3A_201 : i32
        %lt3A_203 = arith.cmpi slt, %sub3A_202, %select_n3A_12 : i32
        %and3A = arith.andi %ge3A_198, %lt3A_203 : i1
        %convert_element_type3A_204 = arith.extui %and3A : i1 to i32
        %cond3A_205 = arith.constant 0 : i32
        %cond3A_206 = arith.cmpi ne, %convert_element_type3A_204, %cond3A_205 : i32
        scf.if %cond3A_206 {
          %dma_wait3A_380 = arith.constant 1 : i32
          %dma_wait3A_381 = arith.constant 0 : i32
          %dma_wait3A_382 = arith.constant 0 : i32
          %dma_wait3A_383 = tpu.memref_slice %arg5[%dma_wait3A_380, %dma_wait3A_381, %dma_wait3A_382] : memref<5x160x128xf32, #tpu.memory_space<vmem>> -> memref<1x160x128xf32, #tpu.memory_space<vmem>>
          %dma_wait3A_384 = tpu.memref_squeeze %dma_wait3A_383 : memref<1x160x128xf32, #tpu.memory_space<vmem>> -> memref<160x128xf32, #tpu.memory_space<vmem>>
          %dma_wait3A_385 = arith.constant 0 : i32
          %dma_wait3A_386 = arith.constant 0 : i32
          %dma_wait3A_387 = tpu.memref_slice %arg8[%dma_wait3A_385, %dma_wait3A_386] : memref<1024x128xf32, #tpu.memory_space<vmem_shared>> -> memref<160x128xf32, #tpu.memory_space<vmem_shared>>
          %dma_wait3A_388 = arith.constant 0 : i32
          %dma_wait3A_389 = arith.constant 0 : i32
          %dma_wait3A_390 = tpu.memref_slice %arg8[%dma_wait3A_388, %dma_wait3A_389] : memref<1024x128xf32, #tpu.memory_space<vmem_shared>> -> memref<160x128xf32, #tpu.memory_space<vmem_shared>>
          %dma_wait3A_391 = arith.constant 0 : i32
          %dma_wait3A_392 = arith.constant 0 : i32
          %dma_wait3A_393 = tpu.memref_slice %arg5[%dma_wait3A_380, %dma_wait3A_391, %dma_wait3A_392] : memref<5x160x128xf32, #tpu.memory_space<vmem>> -> memref<1x160x128xf32, #tpu.memory_space<vmem>>
          %dma_wait3A_394 = tpu.memref_squeeze %dma_wait3A_393 : memref<1x160x128xf32, #tpu.memory_space<vmem>> -> memref<160x128xf32, #tpu.memory_space<vmem>>
          tpu.wait_dma2 semaphore(%arg15 : memref<!tpu.dma_semaphore, #tpu.memory_space<semaphore_mem>>) src(%dma_wait3A_394 : memref<160x128xf32, #tpu.memory_space<vmem>>) dst(%dma_wait3A_390 : memref<160x128xf32, #tpu.memory_space<vmem_shared>>)
        } else {
        }
        %add3A_207 = arith.constant 5 : i32
        %add3A_208 = arith.addi %add3A_193, %add3A_207 : i32
        %sub3A_209 = arith.constant 3 : i32
        %sub3A_210 = arith.subi %add3A_208, %sub3A_209 : i32
        %lt3A_211 = arith.cmpi slt, %sub3A_210, %select_n3A_12 : i32
        %convert_element_type3A_212 = arith.extui %lt3A_211 : i1 to i32
        %cond3A_213 = arith.constant 0 : i32
        %cond3A_214 = arith.cmpi ne, %convert_element_type3A_212, %cond3A_213 : i32
        scf.if %cond3A_214 {
          %add3A_380 = arith.constant 5 : i32
          %add3A_381 = arith.addi %add3A_193, %add3A_380 : i32
          %sub3A_382 = arith.constant 3 : i32
          %sub3A_383 = arith.subi %add3A_381, %sub3A_382 : i32
          %mul3A_384 = arith.constant 160 : i32
          %mul3A_385 = arith.muli %sub3A_383, %mul3A_384 : i32
          %add3A_386 = arith.addi %select_n3A, %mul3A_385 : i32
          %dma_start3A_387 = arith.constant 1 : i32
          %dma_start3A_388 = arith.constant 0 : i32
          %dma_start3A_389 = arith.constant 0 : i32
          %dma_start3A_390 = tpu.memref_slice %arg5[%dma_start3A_387, %dma_start3A_388, %dma_start3A_389] : memref<5x160x128xf32, #tpu.memory_space<vmem>> -> memref<1x160x128xf32, #tpu.memory_space<vmem>>
          %dma_start3A_391 = tpu.memref_squeeze %dma_start3A_390 : memref<1x160x128xf32, #tpu.memory_space<vmem>> -> memref<160x128xf32, #tpu.memory_space<vmem>>
          %dma_start3A_392 = arith.constant 0 : i32
          %dma_start3A_393 = tpu.memref_slice %arg2[%add3A_386, %dma_start3A_392] : memref<100000x128xf32, #tpu.memory_space<hbm>> -> memref<160x128xf32, #tpu.memory_space<hbm>>
          %dma_start3A_394 = arith.constant 0 : i32
          %dma_start3A_395 = arith.constant 0 : i32
          %dma_start3A_396 = tpu.memref_slice %arg5[%dma_start3A_387, %dma_start3A_394, %dma_start3A_395] : memref<5x160x128xf32, #tpu.memory_space<vmem>> -> memref<1x160x128xf32, #tpu.memory_space<vmem>>
          %dma_start3A_397 = tpu.memref_squeeze %dma_start3A_396 : memref<1x160x128xf32, #tpu.memory_space<vmem>> -> memref<160x128xf32, #tpu.memory_space<vmem>>
          %dma_start3A_398 = arith.constant 0 : i32
          %dma_start3A_399 = tpu.memref_slice %arg2[%add3A_386, %dma_start3A_398] : memref<100000x128xf32, #tpu.memory_space<hbm>> -> memref<160x128xf32, #tpu.memory_space<hbm>>
          tpu.enqueue_dma source(%dma_start3A_399 : memref<160x128xf32, #tpu.memory_space<hbm>>) target(%dma_start3A_397 : memref<160x128xf32, #tpu.memory_space<vmem>>) target_semaphore(%arg10 : memref<!tpu.dma_semaphore, #tpu.memory_space<semaphore_mem>>)
        } else {
        }
        %mul3A_215 = arith.constant 160 : i32
        %mul3A_216 = arith.muli %add3A_193, %mul3A_215 : i32
        %add3A_217 = arith.addi %select_n3A, %mul3A_216 : i32
        %dma_wait3A_218 = arith.constant 4 : i32
        %dma_wait3A_219 = arith.constant 0 : i32
        %dma_wait3A_220 = arith.constant 0 : i32
        %dma_wait3A_221 = tpu.memref_slice %arg5[%dma_wait3A_218, %dma_wait3A_219, %dma_wait3A_220] : memref<5x160x128xf32, #tpu.memory_space<vmem>> -> memref<1x160x128xf32, #tpu.memory_space<vmem>>
        %dma_wait3A_222 = tpu.memref_squeeze %dma_wait3A_221 : memref<1x160x128xf32, #tpu.memory_space<vmem>> -> memref<160x128xf32, #tpu.memory_space<vmem>>
        %dma_wait3A_223 = arith.constant 0 : i32
        %dma_wait3A_224 = tpu.memref_slice %arg2[%add3A_217, %dma_wait3A_223] : memref<100000x128xf32, #tpu.memory_space<hbm>> -> memref<160x128xf32, #tpu.memory_space<hbm>>
        %dma_wait3A_225 = arith.constant 0 : i32
        %dma_wait3A_226 = arith.constant 0 : i32
        %dma_wait3A_227 = tpu.memref_slice %arg5[%dma_wait3A_218, %dma_wait3A_225, %dma_wait3A_226] : memref<5x160x128xf32, #tpu.memory_space<vmem>> -> memref<1x160x128xf32, #tpu.memory_space<vmem>>
        %dma_wait3A_228 = tpu.memref_squeeze %dma_wait3A_227 : memref<1x160x128xf32, #tpu.memory_space<vmem>> -> memref<160x128xf32, #tpu.memory_space<vmem>>
        %dma_wait3A_229 = arith.constant 0 : i32
        %dma_wait3A_230 = tpu.memref_slice %arg2[%add3A_217, %dma_wait3A_229] : memref<100000x128xf32, #tpu.memory_space<hbm>> -> memref<160x128xf32, #tpu.memory_space<hbm>>
        tpu.wait_dma2 semaphore(%arg13 : memref<!tpu.dma_semaphore, #tpu.memory_space<semaphore_mem>>) src(%dma_wait3A_230 : memref<160x128xf32, #tpu.memory_space<hbm>>) dst(%dma_wait3A_228 : memref<160x128xf32, #tpu.memory_space<vmem>>)
        %mul3A_231 = arith.constant 160 : i32
        %mul3A_232 = arith.muli %add3A_193, %mul3A_231 : i32
        %add3A_233 = arith.constant 0 : i32
        %add3A_234 = arith.addi %mul3A_232, %add3A_233 : i32
        %get3A = arith.index_cast %add3A_234 : i32 to index
        %get3A_235 = tpu.vector_load %arg6[%get3A] {strides = array<i32>} : memref<3200xi32, #tpu.memory_space<vmem>>, vector<16xi32>,
        %get3A_236 = vector.shape_cast %get3A_235 : vector<16xi32> to vector<16xi32>
        %dma_start3A_237 = arith.constant 4 : i32
        %dma_start3A_238 = arith.constant 0 : i32
        %dma_start3A_239 = arith.constant 0 : i32
        %dma_start3A_240 = tpu.memref_slice %arg5[%dma_start3A_237, %dma_start3A_238, %dma_start3A_239] : memref<5x160x128xf32, #tpu.memory_space<vmem>> -> memref<1x16x128xf32, #tpu.memory_space<vmem>>
        %dma_start3A_241 = tpu.memref_squeeze %dma_start3A_240 : memref<1x16x128xf32, #tpu.memory_space<vmem>> -> memref<16x128xf32, #tpu.memory_space<vmem>>
        %dma_start3A_242 = arith.constant 0 : i32
        %dma_start3A_243 = arith.constant 0 : i32
        %dma_start3A_244 = tpu.memref_slice %arg8[%dma_start3A_242, %dma_start3A_243] : memref<1024x128xf32, #tpu.memory_space<vmem_shared>> -> memref<1024x128xf32, #tpu.memory_space<vmem_shared>>
        tpu.enqueue_indirect_dma source(%dma_start3A_241 : memref<16x128xf32, #tpu.memory_space<vmem>>) target(%dma_start3A_244 : memref<1024x128xf32, #tpu.memory_space<vmem_shared>>) offsets(%get3A_236 : vector<16xi32>) semaphore(%arg18 : memref<!tpu.dma_semaphore, #tpu.memory_space<semaphore_mem>>) {add = true}
        %mul3A_245 = arith.constant 160 : i32
        %mul3A_246 = arith.muli %add3A_193, %mul3A_245 : i32
        %add3A_247 = arith.constant 16 : i32
        %add3A_248 = arith.addi %mul3A_246, %add3A_247 : i32
        %get3A_249 = arith.index_cast %add3A_248 : i32 to index
        %get3A_250 = tpu.vector_load %arg6[%get3A_249] {strides = array<i32>} : memref<3200xi32, #tpu.memory_space<vmem>>, vector<16xi32>,
        %get3A_251 = vector.shape_cast %get3A_250 : vector<16xi32> to vector<16xi32>
        %dma_start3A_252 = arith.constant 4 : i32
        %dma_start3A_253 = arith.constant 16 : i32
        %dma_start3A_254 = arith.constant 0 : i32
        %dma_start3A_255 = tpu.memref_slice %arg5[%dma_start3A_252, %dma_start3A_253, %dma_start3A_254] : memref<5x160x128xf32, #tpu.memory_space<vmem>> -> memref<1x16x128xf32, #tpu.memory_space<vmem>>
        %dma_start3A_256 = tpu.memref_squeeze %dma_start3A_255 : memref<1x16x128xf32, #tpu.memory_space<vmem>> -> memref<16x128xf32, #tpu.memory_space<vmem>>
        %dma_start3A_257 = arith.constant 0 : i32
        %dma_start3A_258 = arith.constant 0 : i32
        %dma_start3A_259 = tpu.memref_slice %arg8[%dma_start3A_257, %dma_start3A_258] : memref<1024x128xf32, #tpu.memory_space<vmem_shared>> -> memref<1024x128xf32, #tpu.memory_space<vmem_shared>>
        tpu.enqueue_indirect_dma source(%dma_start3A_256 : memref<16x128xf32, #tpu.memory_space<vmem>>) target(%dma_start3A_259 : memref<1024x128xf32, #tpu.memory_space<vmem_shared>>) offsets(%get3A_251 : vector<16xi32>) semaphore(%arg18 : memref<!tpu.dma_semaphore, #tpu.memory_space<semaphore_mem>>) {add = true}
        %mul3A_260 = arith.constant 160 : i32
        %mul3A_261 = arith.muli %add3A_193, %mul3A_260 : i32
        %add3A_262 = arith.constant 32 : i32
        %add3A_263 = arith.addi %mul3A_261, %add3A_262 : i32
        %get3A_264 = arith.index_cast %add3A_263 : i32 to index
        %get3A_265 = tpu.vector_load %arg6[%get3A_264] {strides = array<i32>} : memref<3200xi32, #tpu.memory_space<vmem>>, vector<16xi32>,
        %get3A_266 = vector.shape_cast %get3A_265 : vector<16xi32> to vector<16xi32>
        %dma_start3A_267 = arith.constant 4 : i32
        %dma_start3A_268 = arith.constant 32 : i32
        %dma_start3A_269 = arith.constant 0 : i32
        %dma_start3A_270 = tpu.memref_slice %arg5[%dma_start3A_267, %dma_start3A_268, %dma_start3A_269] : memref<5x160x128xf32, #tpu.memory_space<vmem>> -> memref<1x16x128xf32, #tpu.memory_space<vmem>>
        %dma_start3A_271 = tpu.memref_squeeze %dma_start3A_270 : memref<1x16x128xf32, #tpu.memory_space<vmem>> -> memref<16x128xf32, #tpu.memory_space<vmem>>
        %dma_start3A_272 = arith.constant 0 : i32
        %dma_start3A_273 = arith.constant 0 : i32
        %dma_start3A_274 = tpu.memref_slice %arg8[%dma_start3A_272, %dma_start3A_273] : memref<1024x128xf32, #tpu.memory_space<vmem_shared>> -> memref<1024x128xf32, #tpu.memory_space<vmem_shared>>
        tpu.enqueue_indirect_dma source(%dma_start3A_271 : memref<16x128xf32, #tpu.memory_space<vmem>>) target(%dma_start3A_274 : memref<1024x128xf32, #tpu.memory_space<vmem_shared>>) offsets(%get3A_266 : vector<16xi32>) semaphore(%arg18 : memref<!tpu.dma_semaphore, #tpu.memory_space<semaphore_mem>>) {add = true}
        %mul3A_275 = arith.constant 160 : i32
        %mul3A_276 = arith.muli %add3A_193, %mul3A_275 : i32
        %add3A_277 = arith.constant 48 : i32
        %add3A_278 = arith.addi %mul3A_276, %add3A_277 : i32
        %get3A_279 = arith.index_cast %add3A_278 : i32 to index
        %get3A_280 = tpu.vector_load %arg6[%get3A_279] {strides = array<i32>} : memref<3200xi32, #tpu.memory_space<vmem>>, vector<16xi32>,
        %get3A_281 = vector.shape_cast %get3A_280 : vector<16xi32> to vector<16xi32>
        %dma_start3A_282 = arith.constant 4 : i32
        %dma_start3A_283 = arith.constant 48 : i32
        %dma_start3A_284 = arith.constant 0 : i32
        %dma_start3A_285 = tpu.memref_slice %arg5[%dma_start3A_282, %dma_start3A_283, %dma_start3A_284] : memref<5x160x128xf32, #tpu.memory_space<vmem>> -> memref<1x16x128xf32, #tpu.memory_space<vmem>>
        %dma_start3A_286 = tpu.memref_squeeze %dma_start3A_285 : memref<1x16x128xf32, #tpu.memory_space<vmem>> -> memref<16x128xf32, #tpu.memory_space<vmem>>
        %dma_start3A_287 = arith.constant 0 : i32
        %dma_start3A_288 = arith.constant 0 : i32
        %dma_start3A_289 = tpu.memref_slice %arg8[%dma_start3A_287, %dma_start3A_288] : memref<1024x128xf32, #tpu.memory_space<vmem_shared>> -> memref<1024x128xf32, #tpu.memory_space<vmem_shared>>
        tpu.enqueue_indirect_dma source(%dma_start3A_286 : memref<16x128xf32, #tpu.memory_space<vmem>>) target(%dma_start3A_289 : memref<1024x128xf32, #tpu.memory_space<vmem_shared>>) offsets(%get3A_281 : vector<16xi32>) semaphore(%arg18 : memref<!tpu.dma_semaphore, #tpu.memory_space<semaphore_mem>>) {add = true}
        %mul3A_290 = arith.constant 160 : i32
        %mul3A_291 = arith.muli %add3A_193, %mul3A_290 : i32
        %add3A_292 = arith.constant 64 : i32
        %add3A_293 = arith.addi %mul3A_291, %add3A_292 : i32
        %get3A_294 = arith.index_cast %add3A_293 : i32 to index
        %get3A_295 = tpu.vector_load %arg6[%get3A_294] {strides = array<i32>} : memref<3200xi32, #tpu.memory_space<vmem>>, vector<16xi32>,
        %get3A_296 = vector.shape_cast %get3A_295 : vector<16xi32> to vector<16xi32>
        %dma_start3A_297 = arith.constant 4 : i32
        %dma_start3A_298 = arith.constant 64 : i32
        %dma_start3A_299 = arith.constant 0 : i32
        %dma_start3A_300 = tpu.memref_slice %arg5[%dma_start3A_297, %dma_start3A_298, %dma_start3A_299] : memref<5x160x128xf32, #tpu.memory_space<vmem>> -> memref<1x16x128xf32, #tpu.memory_space<vmem>>
        %dma_start3A_301 = tpu.memref_squeeze %dma_start3A_300 : memref<1x16x128xf32, #tpu.memory_space<vmem>> -> memref<16x128xf32, #tpu.memory_space<vmem>>
        %dma_start3A_302 = arith.constant 0 : i32
        %dma_start3A_303 = arith.constant 0 : i32
        %dma_start3A_304 = tpu.memref_slice %arg8[%dma_start3A_302, %dma_start3A_303] : memref<1024x128xf32, #tpu.memory_space<vmem_shared>> -> memref<1024x128xf32, #tpu.memory_space<vmem_shared>>
        tpu.enqueue_indirect_dma source(%dma_start3A_301 : memref<16x128xf32, #tpu.memory_space<vmem>>) target(%dma_start3A_304 : memref<1024x128xf32, #tpu.memory_space<vmem_shared>>) offsets(%get3A_296 : vector<16xi32>) semaphore(%arg18 : memref<!tpu.dma_semaphore, #tpu.memory_space<semaphore_mem>>) {add = true}
        %mul3A_305 = arith.constant 160 : i32
        %mul3A_306 = arith.muli %add3A_193, %mul3A_305 : i32
        %add3A_307 = arith.constant 80 : i32
        %add3A_308 = arith.addi %mul3A_306, %add3A_307 : i32
        %get3A_309 = arith.index_cast %add3A_308 : i32 to index
        %get3A_310 = tpu.vector_load %arg6[%get3A_309] {strides = array<i32>} : memref<3200xi32, #tpu.memory_space<vmem>>, vector<16xi32>,
        %get3A_311 = vector.shape_cast %get3A_310 : vector<16xi32> to vector<16xi32>
        %dma_start3A_312 = arith.constant 4 : i32
        %dma_start3A_313 = arith.constant 80 : i32
        %dma_start3A_314 = arith.constant 0 : i32
        %dma_start3A_315 = tpu.memref_slice %arg5[%dma_start3A_312, %dma_start3A_313, %dma_start3A_314] : memref<5x160x128xf32, #tpu.memory_space<vmem>> -> memref<1x16x128xf32, #tpu.memory_space<vmem>>
        %dma_start3A_316 = tpu.memref_squeeze %dma_start3A_315 : memref<1x16x128xf32, #tpu.memory_space<vmem>> -> memref<16x128xf32, #tpu.memory_space<vmem>>
        %dma_start3A_317 = arith.constant 0 : i32
        %dma_start3A_318 = arith.constant 0 : i32
        %dma_start3A_319 = tpu.memref_slice %arg8[%dma_start3A_317, %dma_start3A_318] : memref<1024x128xf32, #tpu.memory_space<vmem_shared>> -> memref<1024x128xf32, #tpu.memory_space<vmem_shared>>
        tpu.enqueue_indirect_dma source(%dma_start3A_316 : memref<16x128xf32, #tpu.memory_space<vmem>>) target(%dma_start3A_319 : memref<1024x128xf32, #tpu.memory_space<vmem_shared>>) offsets(%get3A_311 : vector<16xi32>) semaphore(%arg18 : memref<!tpu.dma_semaphore, #tpu.memory_space<semaphore_mem>>) {add = true}
        %mul3A_320 = arith.constant 160 : i32
        %mul3A_321 = arith.muli %add3A_193, %mul3A_320 : i32
        %add3A_322 = arith.constant 96 : i32
        %add3A_323 = arith.addi %mul3A_321, %add3A_322 : i32
        %get3A_324 = arith.index_cast %add3A_323 : i32 to index
        %get3A_325 = tpu.vector_load %arg6[%get3A_324] {strides = array<i32>} : memref<3200xi32, #tpu.memory_space<vmem>>, vector<16xi32>,
        %get3A_326 = vector.shape_cast %get3A_325 : vector<16xi32> to vector<16xi32>
        %dma_start3A_327 = arith.constant 4 : i32
        %dma_start3A_328 = arith.constant 96 : i32
        %dma_start3A_329 = arith.constant 0 : i32
        %dma_start3A_330 = tpu.memref_slice %arg5[%dma_start3A_327, %dma_start3A_328, %dma_start3A_329] : memref<5x160x128xf32, #tpu.memory_space<vmem>> -> memref<1x16x128xf32, #tpu.memory_space<vmem>>
        %dma_start3A_331 = tpu.memref_squeeze %dma_start3A_330 : memref<1x16x128xf32, #tpu.memory_space<vmem>> -> memref<16x128xf32, #tpu.memory_space<vmem>>
        %dma_start3A_332 = arith.constant 0 : i32
        %dma_start3A_333 = arith.constant 0 : i32
        %dma_start3A_334 = tpu.memref_slice %arg8[%dma_start3A_332, %dma_start3A_333] : memref<1024x128xf32, #tpu.memory_space<vmem_shared>> -> memref<1024x128xf32, #tpu.memory_space<vmem_shared>>
        tpu.enqueue_indirect_dma source(%dma_start3A_331 : memref<16x128xf32, #tpu.memory_space<vmem>>) target(%dma_start3A_334 : memref<1024x128xf32, #tpu.memory_space<vmem_shared>>) offsets(%get3A_326 : vector<16xi32>) semaphore(%arg18 : memref<!tpu.dma_semaphore, #tpu.memory_space<semaphore_mem>>) {add = true}
        %mul3A_335 = arith.constant 160 : i32
        %mul3A_336 = arith.muli %add3A_193, %mul3A_335 : i32
        %add3A_337 = arith.constant 112 : i32
        %add3A_338 = arith.addi %mul3A_336, %add3A_337 : i32
        %get3A_339 = arith.index_cast %add3A_338 : i32 to index
        %get3A_340 = tpu.vector_load %arg6[%get3A_339] {strides = array<i32>} : memref<3200xi32, #tpu.memory_space<vmem>>, vector<16xi32>,
        %get3A_341 = vector.shape_cast %get3A_340 : vector<16xi32> to vector<16xi32>
        %dma_start3A_342 = arith.constant 4 : i32
        %dma_start3A_343 = arith.constant 112 : i32
        %dma_start3A_344 = arith.constant 0 : i32
        %dma_start3A_345 = tpu.memref_slice %arg5[%dma_start3A_342, %dma_start3A_343, %dma_start3A_344] : memref<5x160x128xf32, #tpu.memory_space<vmem>> -> memref<1x16x128xf32, #tpu.memory_space<vmem>>
        %dma_start3A_346 = tpu.memref_squeeze %dma_start3A_345 : memref<1x16x128xf32, #tpu.memory_space<vmem>> -> memref<16x128xf32, #tpu.memory_space<vmem>>
        %dma_start3A_347 = arith.constant 0 : i32
        %dma_start3A_348 = arith.constant 0 : i32
        %dma_start3A_349 = tpu.memref_slice %arg8[%dma_start3A_347, %dma_start3A_348] : memref<1024x128xf32, #tpu.memory_space<vmem_shared>> -> memref<1024x128xf32, #tpu.memory_space<vmem_shared>>
        tpu.enqueue_indirect_dma source(%dma_start3A_346 : memref<16x128xf32, #tpu.memory_space<vmem>>) target(%dma_start3A_349 : memref<1024x128xf32, #tpu.memory_space<vmem_shared>>) offsets(%get3A_341 : vector<16xi32>) semaphore(%arg18 : memref<!tpu.dma_semaphore, #tpu.memory_space<semaphore_mem>>) {add = true}
        %mul3A_350 = arith.constant 160 : i32
        %mul3A_351 = arith.muli %add3A_193, %mul3A_350 : i32
        %add3A_352 = arith.constant 128 : i32
        %add3A_353 = arith.addi %mul3A_351, %add3A_352 : i32
        %get3A_354 = arith.index_cast %add3A_353 : i32 to index
        %get3A_355 = tpu.vector_load %arg6[%get3A_354] {strides = array<i32>} : memref<3200xi32, #tpu.memory_space<vmem>>, vector<16xi32>,
        %get3A_356 = vector.shape_cast %get3A_355 : vector<16xi32> to vector<16xi32>
        %dma_start3A_357 = arith.constant 4 : i32
        %dma_start3A_358 = arith.constant 128 : i32
        %dma_start3A_359 = arith.constant 0 : i32
        %dma_start3A_360 = tpu.memref_slice %arg5[%dma_start3A_357, %dma_start3A_358, %dma_start3A_359] : memref<5x160x128xf32, #tpu.memory_space<vmem>> -> memref<1x16x128xf32, #tpu.memory_space<vmem>>
        %dma_start3A_361 = tpu.memref_squeeze %dma_start3A_360 : memref<1x16x128xf32, #tpu.memory_space<vmem>> -> memref<16x128xf32, #tpu.memory_space<vmem>>
        %dma_start3A_362 = arith.constant 0 : i32
        %dma_start3A_363 = arith.constant 0 : i32
        %dma_start3A_364 = tpu.memref_slice %arg8[%dma_start3A_362, %dma_start3A_363] : memref<1024x128xf32, #tpu.memory_space<vmem_shared>> -> memref<1024x128xf32, #tpu.memory_space<vmem_shared>>
        tpu.enqueue_indirect_dma source(%dma_start3A_361 : memref<16x128xf32, #tpu.memory_space<vmem>>) target(%dma_start3A_364 : memref<1024x128xf32, #tpu.memory_space<vmem_shared>>) offsets(%get3A_356 : vector<16xi32>) semaphore(%arg18 : memref<!tpu.dma_semaphore, #tpu.memory_space<semaphore_mem>>) {add = true}
        %mul3A_365 = arith.constant 160 : i32
        %mul3A_366 = arith.muli %add3A_193, %mul3A_365 : i32
        %add3A_367 = arith.constant 144 : i32
        %add3A_368 = arith.addi %mul3A_366, %add3A_367 : i32
        %get3A_369 = arith.index_cast %add3A_368 : i32 to index
        %get3A_370 = tpu.vector_load %arg6[%get3A_369] {strides = array<i32>} : memref<3200xi32, #tpu.memory_space<vmem>>, vector<16xi32>,
        %get3A_371 = vector.shape_cast %get3A_370 : vector<16xi32> to vector<16xi32>
        %dma_start3A_372 = arith.constant 4 : i32
        %dma_start3A_373 = arith.constant 144 : i32
        %dma_start3A_374 = arith.constant 0 : i32
        %dma_start3A_375 = tpu.memref_slice %arg5[%dma_start3A_372, %dma_start3A_373, %dma_start3A_374] : memref<5x160x128xf32, #tpu.memory_space<vmem>> -> memref<1x16x128xf32, #tpu.memory_space<vmem>>
        %dma_start3A_376 = tpu.memref_squeeze %dma_start3A_375 : memref<1x16x128xf32, #tpu.memory_space<vmem>> -> memref<16x128xf32, #tpu.memory_space<vmem>>
        %dma_start3A_377 = arith.constant 0 : i32
        %dma_start3A_378 = arith.constant 0 : i32
        %dma_start3A_379 = tpu.memref_slice %arg8[%dma_start3A_377, %dma_start3A_378] : memref<1024x128xf32, #tpu.memory_space<vmem_shared>> -> memref<1024x128xf32, #tpu.memory_space<vmem_shared>>
        tpu.enqueue_indirect_dma source(%dma_start3A_376 : memref<16x128xf32, #tpu.memory_space<vmem>>) target(%dma_start3A_379 : memref<1024x128xf32, #tpu.memory_space<vmem_shared>>) offsets(%get3A_371 : vector<16xi32>) semaphore(%arg18 : memref<!tpu.dma_semaphore, #tpu.memory_space<semaphore_mem>>) {add = true}
      } else {
      }
    }
    %scan3A_73 = arith.constant 4 : i32
    %dma_wait3A_74 = arith.constant 0 : i32
    %dma_wait3A_75 = arith.constant 0 : i32
    %dma_wait3A_76 = arith.constant 0 : i32
    %dma_wait3A_77 = tpu.memref_slice %arg5[%dma_wait3A_74, %dma_wait3A_75, %dma_wait3A_76] : memref<5x160x128xf32, #tpu.memory_space<vmem>> -> memref<1x160x128xf32, #tpu.memory_space<vmem>>
    %dma_wait3A_78 = tpu.memref_squeeze %dma_wait3A_77 : memref<1x160x128xf32, #tpu.memory_space<vmem>> -> memref<160x128xf32, #tpu.memory_space<vmem>>
    %dma_wait3A_79 = arith.constant 0 : i32
    %dma_wait3A_80 = arith.constant 0 : i32
    %dma_wait3A_81 = tpu.memref_slice %arg8[%dma_wait3A_79, %dma_wait3A_80] : memref<1024x128xf32, #tpu.memory_space<vmem_shared>> -> memref<160x128xf32, #tpu.memory_space<vmem_shared>>
    %dma_wait3A_82 = arith.constant 0 : i32
    %dma_wait3A_83 = arith.constant 0 : i32
    %dma_wait3A_84 = tpu.memref_slice %arg8[%dma_wait3A_82, %dma_wait3A_83] : memref<1024x128xf32, #tpu.memory_space<vmem_shared>> -> memref<160x128xf32, #tpu.memory_space<vmem_shared>>
    %dma_wait3A_85 = arith.constant 0 : i32
    %dma_wait3A_86 = arith.constant 0 : i32
    %dma_wait3A_87 = tpu.memref_slice %arg5[%dma_wait3A_74, %dma_wait3A_85, %dma_wait3A_86] : memref<5x160x128xf32, #tpu.memory_space<vmem>> -> memref<1x160x128xf32, #tpu.memory_space<vmem>>
    %dma_wait3A_88 = tpu.memref_squeeze %dma_wait3A_87 : memref<1x160x128xf32, #tpu.memory_space<vmem>> -> memref<160x128xf32, #tpu.memory_space<vmem>>
    tpu.wait_dma2 semaphore(%arg14 : memref<!tpu.dma_semaphore, #tpu.memory_space<semaphore_mem>>) src(%dma_wait3A_88 : memref<160x128xf32, #tpu.memory_space<vmem>>) dst(%dma_wait3A_84 : memref<160x128xf32, #tpu.memory_space<vmem_shared>>)
    %dma_wait3A_89 = arith.constant 1 : i32
    %dma_wait3A_90 = arith.constant 0 : i32
    %dma_wait3A_91 = arith.constant 0 : i32
    %dma_wait3A_92 = tpu.memref_slice %arg5[%dma_wait3A_89, %dma_wait3A_90, %dma_wait3A_91] : memref<5x160x128xf32, #tpu.memory_space<vmem>> -> memref<1x160x128xf32, #tpu.memory_space<vmem>>
    %dma_wait3A_93 = tpu.memref_squeeze %dma_wait3A_92 : memref<1x160x128xf32, #tpu.memory_space<vmem>> -> memref<160x128xf32, #tpu.memory_space<vmem>>
    %dma_wait3A_94 = arith.constant 0 : i32
    %dma_wait3A_95 = arith.constant 0 : i32
    %dma_wait3A_96 = tpu.memref_slice %arg8[%dma_wait3A_94, %dma_wait3A_95] : memref<1024x128xf32, #tpu.memory_space<vmem_shared>> -> memref<160x128xf32, #tpu.memory_space<vmem_shared>>
    %dma_wait3A_97 = arith.constant 0 : i32
    %dma_wait3A_98 = arith.constant 0 : i32
    %dma_wait3A_99 = tpu.memref_slice %arg8[%dma_wait3A_97, %dma_wait3A_98] : memref<1024x128xf32, #tpu.memory_space<vmem_shared>> -> memref<160x128xf32, #tpu.memory_space<vmem_shared>>
    %dma_wait3A_100 = arith.constant 0 : i32
    %dma_wait3A_101 = arith.constant 0 : i32
    %dma_wait3A_102 = tpu.memref_slice %arg5[%dma_wait3A_89, %dma_wait3A_100, %dma_wait3A_101] : memref<5x160x128xf32, #tpu.memory_space<vmem>> -> memref<1x160x128xf32, #tpu.memory_space<vmem>>
    %dma_wait3A_103 = tpu.memref_squeeze %dma_wait3A_102 : memref<1x160x128xf32, #tpu.memory_space<vmem>> -> memref<160x128xf32, #tpu.memory_space<vmem>>
    tpu.wait_dma2 semaphore(%arg15 : memref<!tpu.dma_semaphore, #tpu.memory_space<semaphore_mem>>) src(%dma_wait3A_103 : memref<160x128xf32, #tpu.memory_space<vmem>>) dst(%dma_wait3A_99 : memref<160x128xf32, #tpu.memory_space<vmem_shared>>)
    %dma_wait3A_104 = arith.constant 2 : i32
    %dma_wait3A_105 = arith.constant 0 : i32
    %dma_wait3A_106 = arith.constant 0 : i32
    %dma_wait3A_107 = tpu.memref_slice %arg5[%dma_wait3A_104, %dma_wait3A_105, %dma_wait3A_106] : memref<5x160x128xf32, #tpu.memory_space<vmem>> -> memref<1x160x128xf32, #tpu.memory_space<vmem>>
    %dma_wait3A_108 = tpu.memref_squeeze %dma_wait3A_107 : memref<1x160x128xf32, #tpu.memory_space<vmem>> -> memref<160x128xf32, #tpu.memory_space<vmem>>
    %dma_wait3A_109 = arith.constant 0 : i32
    %dma_wait3A_110 = arith.constant 0 : i32
    %dma_wait3A_111 = tpu.memref_slice %arg8[%dma_wait3A_109, %dma_wait3A_110] : memref<1024x128xf32, #tpu.memory_space<vmem_shared>> -> memref<160x128xf32, #tpu.memory_space<vmem_shared>>
    %dma_wait3A_112 = arith.constant 0 : i32
    %dma_wait3A_113 = arith.constant 0 : i32
    %dma_wait3A_114 = tpu.memref_slice %arg8[%dma_wait3A_112, %dma_wait3A_113] : memref<1024x128xf32, #tpu.memory_space<vmem_shared>> -> memref<160x128xf32, #tpu.memory_space<vmem_shared>>
    %dma_wait3A_115 = arith.constant 0 : i32
    %dma_wait3A_116 = arith.constant 0 : i32
    %dma_wait3A_117 = tpu.memref_slice %arg5[%dma_wait3A_104, %dma_wait3A_115, %dma_wait3A_116] : memref<5x160x128xf32, #tpu.memory_space<vmem>> -> memref<1x160x128xf32, #tpu.memory_space<vmem>>
    %dma_wait3A_118 = tpu.memref_squeeze %dma_wait3A_117 : memref<1x160x128xf32, #tpu.memory_space<vmem>> -> memref<160x128xf32, #tpu.memory_space<vmem>>
    tpu.wait_dma2 semaphore(%arg16 : memref<!tpu.dma_semaphore, #tpu.memory_space<semaphore_mem>>) src(%dma_wait3A_118 : memref<160x128xf32, #tpu.memory_space<vmem>>) dst(%dma_wait3A_114 : memref<160x128xf32, #tpu.memory_space<vmem_shared>>)
    %dma_wait3A_119 = arith.constant 3 : i32
    %dma_wait3A_120 = arith.constant 0 : i32
    %dma_wait3A_121 = arith.constant 0 : i32
    %dma_wait3A_122 = tpu.memref_slice %arg5[%dma_wait3A_119, %dma_wait3A_120, %dma_wait3A_121] : memref<5x160x128xf32, #tpu.memory_space<vmem>> -> memref<1x160x128xf32, #tpu.memory_space<vmem>>
    %dma_wait3A_123 = tpu.memref_squeeze %dma_wait3A_122 : memref<1x160x128xf32, #tpu.memory_space<vmem>> -> memref<160x128xf32, #tpu.memory_space<vmem>>
    %dma_wait3A_124 = arith.constant 0 : i32
    %dma_wait3A_125 = arith.constant 0 : i32
    %dma_wait3A_126 = tpu.memref_slice %arg8[%dma_wait3A_124, %dma_wait3A_125] : memref<1024x128xf32, #tpu.memory_space<vmem_shared>> -> memref<160x128xf32, #tpu.memory_space<vmem_shared>>
    %dma_wait3A_127 = arith.constant 0 : i32
    %dma_wait3A_128 = arith.constant 0 : i32
    %dma_wait3A_129 = tpu.memref_slice %arg8[%dma_wait3A_127, %dma_wait3A_128] : memref<1024x128xf32, #tpu.memory_space<vmem_shared>> -> memref<160x128xf32, #tpu.memory_space<vmem_shared>>
    %dma_wait3A_130 = arith.constant 0 : i32
    %dma_wait3A_131 = arith.constant 0 : i32
    %dma_wait3A_132 = tpu.memref_slice %arg5[%dma_wait3A_119, %dma_wait3A_130, %dma_wait3A_131] : memref<5x160x128xf32, #tpu.memory_space<vmem>> -> memref<1x160x128xf32, #tpu.memory_space<vmem>>
    %dma_wait3A_133 = tpu.memref_squeeze %dma_wait3A_132 : memref<1x160x128xf32, #tpu.memory_space<vmem>> -> memref<160x128xf32, #tpu.memory_space<vmem>>
    tpu.wait_dma2 semaphore(%arg17 : memref<!tpu.dma_semaphore, #tpu.memory_space<semaphore_mem>>) src(%dma_wait3A_133 : memref<160x128xf32, #tpu.memory_space<vmem>>) dst(%dma_wait3A_129 : memref<160x128xf32, #tpu.memory_space<vmem_shared>>)
    %dma_wait3A_134 = arith.constant 4 : i32
    %dma_wait3A_135 = arith.constant 0 : i32
    %dma_wait3A_136 = arith.constant 0 : i32
    %dma_wait3A_137 = tpu.memref_slice %arg5[%dma_wait3A_134, %dma_wait3A_135, %dma_wait3A_136] : memref<5x160x128xf32, #tpu.memory_space<vmem>> -> memref<1x160x128xf32, #tpu.memory_space<vmem>>
    %dma_wait3A_138 = tpu.memref_squeeze %dma_wait3A_137 : memref<1x160x128xf32, #tpu.memory_space<vmem>> -> memref<160x128xf32, #tpu.memory_space<vmem>>
    %dma_wait3A_139 = arith.constant 0 : i32
    %dma_wait3A_140 = arith.constant 0 : i32
    %dma_wait3A_141 = tpu.memref_slice %arg8[%dma_wait3A_139, %dma_wait3A_140] : memref<1024x128xf32, #tpu.memory_space<vmem_shared>> -> memref<160x128xf32, #tpu.memory_space<vmem_shared>>
    %dma_wait3A_142 = arith.constant 0 : i32
    %dma_wait3A_143 = arith.constant 0 : i32
    %dma_wait3A_144 = tpu.memref_slice %arg8[%dma_wait3A_142, %dma_wait3A_143] : memref<1024x128xf32, #tpu.memory_space<vmem_shared>> -> memref<160x128xf32, #tpu.memory_space<vmem_shared>>
    %dma_wait3A_145 = arith.constant 0 : i32
    %dma_wait3A_146 = arith.constant 0 : i32
    %dma_wait3A_147 = tpu.memref_slice %arg5[%dma_wait3A_134, %dma_wait3A_145, %dma_wait3A_146] : memref<5x160x128xf32, #tpu.memory_space<vmem>> -> memref<1x160x128xf32, #tpu.memory_space<vmem>>
    %dma_wait3A_148 = tpu.memref_squeeze %dma_wait3A_147 : memref<1x160x128xf32, #tpu.memory_space<vmem>> -> memref<160x128xf32, #tpu.memory_space<vmem>>
    tpu.wait_dma2 semaphore(%arg18 : memref<!tpu.dma_semaphore, #tpu.memory_space<semaphore_mem>>) src(%dma_wait3A_148 : memref<160x128xf32, #tpu.memory_space<vmem>>) dst(%dma_wait3A_144 : memref<160x128xf32, #tpu.memory_space<vmem_shared>>)
    %barrier3A_149 = arith.constant 0 : index
    tpu.barrier barrier_id(%barrier3A_149)
    %mul3A_150 = arith.constant 64 : i32
    %mul3A_151 = arith.muli %arg1, %mul3A_150 : i32
    %mul3A_152 = arith.constant 1024 : i32
    %mul3A_153 = arith.muli %arg0, %mul3A_152 : i32
    %mul3A_154 = arith.constant 64 : i32
    %mul3A_155 = arith.muli %arg1, %mul3A_154 : i32
    %add3A_156 = arith.addi %mul3A_153, %mul3A_155 : i32
    "tpu.region"() ({
      %run_scoped3A = tpu.sem_alloc : memref<!tpu.dma_semaphore, #tpu.memory_space<semaphore_mem>>
      %dma_start3A_157 = arith.constant 0 : i32
      %dma_start3A_158 = tpu.memref_slice %arg4[%add3A_156, %dma_start3A_157] : memref<2048x128xf32, #tpu.memory_space<hbm>> -> memref<64x128xf32, #tpu.memory_space<hbm>>
      %dma_start3A_159 = arith.constant 0 : i32
      %dma_start3A_160 = tpu.memref_slice %arg8[%mul3A_151, %dma_start3A_159] : memref<1024x128xf32, #tpu.memory_space<vmem_shared>> -> memref<64x128xf32, #tpu.memory_space<vmem_shared>>
      tpu.enqueue_dma source(%dma_start3A_160 : memref<64x128xf32, #tpu.memory_space<vmem_shared>>) target(%dma_start3A_158 : memref<64x128xf32, #tpu.memory_space<hbm>>) target_semaphore(%run_scoped3A : memref<!tpu.dma_semaphore, #tpu.memory_space<semaphore_mem>>)
      %dma_wait3A_161 = arith.constant 0 : i32
      %dma_wait3A_162 = tpu.memref_slice %arg4[%add3A_156, %dma_wait3A_161] : memref<2048x128xf32, #tpu.memory_space<hbm>> -> memref<64x128xf32, #tpu.memory_space<hbm>>
      %dma_wait3A_163 = arith.constant 0 : i32
      %dma_wait3A_164 = tpu.memref_slice %arg8[%mul3A_151, %dma_wait3A_163] : memref<1024x128xf32, #tpu.memory_space<vmem_shared>> -> memref<64x128xf32, #tpu.memory_space<vmem_shared>>
      tpu.wait_dma2 semaphore(%run_scoped3A : memref<!tpu.dma_semaphore, #tpu.memory_space<semaphore_mem>>) src(%dma_wait3A_164 : memref<64x128xf32, #tpu.memory_space<vmem_shared>>) dst(%dma_wait3A_162 : memref<64x128xf32, #tpu.memory_space<hbm>>)
      tpu.yield
    }) : () -> ()
    return
  }
}

module attributes {stable_mosaic.version = 14 : i64} {
  func.func @_mlp_body(%arg0: memref<2048x128xf32, #tpu.memory_space<vmem>>, %arg1: memref<128x128xf32, #tpu.memory_space<vmem>>, %arg2: memref<1x128xf32, #tpu.memory_space<vmem>>, %arg3: memref<128x1xf32, #tpu.memory_space<vmem>>, %arg4: memref<1x1xf32, #tpu.memory_space<vmem>>, %arg5: memref<1024x1xf32, #tpu.memory_space<vmem>>) attributes {dimension_semantics = [], scalar_prefetch = 0 : i64, scratch_operands = 0 : i64, tpu.core_type = #tpu.core_type<tc>} {
    %get3A = arith.constant 0 : index
    %get3A_0 = arith.constant 0 : index
    %get3A_1 = vector.load %arg0[%get3A, %get3A_0] : memref<2048x128xf32, #tpu.memory_space<vmem>>, vector<1024x128xf32>
    %get3A_2 = arith.constant 1024 : index
    %get3A_3 = arith.constant 0 : index
    %get3A_4 = vector.load %arg0[%get3A_2, %get3A_3] : memref<2048x128xf32, #tpu.memory_space<vmem>>, vector<1024x128xf32>
    %add3A = arith.addf %get3A_1, %get3A_4 : vector<1024x128xf32>
    %get3A_5 = arith.constant 0 : index
    %get3A_6 = arith.constant 0 : index
    %get3A_7 = vector.load %arg1[%get3A_5, %get3A_6] : memref<128x128xf32, #tpu.memory_space<vmem>>, vector<128x128xf32>
    %dot_general3A = arith.constant dense<0.000000e+00> : vector<1024x128xf32>
    %dot_general3A_8 = tpu.matmul %add3A, %get3A_7, %dot_general3A {dimension_numbers = #tpu.dot_dimension_numbers<[1], [0], [0], [1], [0, 0, 1, 1], [], []>, transpose_lhs_hint = false} : vector<1024x128xf32>, vector<128x128xf32>, vector<1024x128xf32> -> vector<1024x128xf32>
    %get3A_9 = arith.constant 0 : index
    %get3A_10 = arith.constant 0 : index
    %get3A_11 = vector.load %arg2[%get3A_9, %get3A_10] : memref<1x128xf32, #tpu.memory_space<vmem>>, vector<1x128xf32>
    %add3A_12 = vector.broadcast %get3A_11 : vector<1x128xf32> to vector<1024x128xf32>
    %add3A_13 = arith.addf %dot_general3A_8, %add3A_12 : vector<1024x128xf32>
    %tanh3A = math.tanh %add3A_13 : vector<1024x128xf32>
    %get3A_14 = arith.constant 0 : index
    %get3A_15 = arith.constant 0 : index
    %get3A_16 = vector.load %arg3[%get3A_14, %get3A_15] : memref<128x1xf32, #tpu.memory_space<vmem>>, vector<128x1xf32>
    %dot_general3A_17 = arith.constant dense<0.000000e+00> : vector<1024x1xf32>
    %dot_general3A_18 = tpu.matmul %tanh3A, %get3A_16, %dot_general3A_17 {dimension_numbers = #tpu.dot_dimension_numbers<[1], [0], [0], [1], [0, 0, 1, 1], [], []>, transpose_lhs_hint = false} : vector<1024x128xf32>, vector<128x1xf32>, vector<1024x1xf32> -> vector<1024x1xf32>
    %get3A_19 = arith.constant 0 : index
    %get3A_20 = arith.constant 0 : index
    %get3A_21 = vector.load %arg4[%get3A_19, %get3A_20] : memref<1x1xf32, #tpu.memory_space<vmem>>, vector<1x1xf32>
    %add3A_22 = vector.broadcast %get3A_21 : vector<1x1xf32> to vector<1024x1xf32>
    %add3A_23 = arith.addf %dot_general3A_18, %add3A_22 : vector<1024x1xf32>
    %swap3A = arith.constant 0 : index
    %swap3A_24 = arith.constant 0 : index
    %swap3A_25 = vector.load %arg5[%swap3A, %swap3A_24] : memref<1024x1xf32, #tpu.memory_space<vmem>>, vector<1024x1xf32>
    tpu.vector_store %arg5[%swap3A, %swap3A_24], %add3A_23 {strides = array<i32>} : memref<1024x1xf32, #tpu.memory_space<vmem>>, vector<1024x1xf32>,
    return
  }
}

</mosaic_0001>

<sc_bundles>
// kernel: kernel.4.cloned.1.call-start
scs
__scs_entry_jumppad:
0x0: {  	(pc) =	sbr.rel $0x88, $3  }
0x1: {  	(tag) =	ssettag $0x0;
	lr =	simm.s32 $0x1  }
0x2: {  	[smem:$0x3F9B] =	sst lr;
	_ =	strace $0xD0000000  }
0x3: {  	_ = 	snop  }
0x4: {  	_ = 	snop  }
0x5: {  	_ = 	snop  }
0x6: {  	_ = 	snop  }
0x7: {  	_ = 	snop  }
__scs_overlays_trampoline_lowered:
0x8: {  	[smem:$0x3FAA] =	sst s0  }
0x9: {  	[smem:$0x3FAB] =	sst s1  }
0xa: {  	[smem:$0x3FAC] =	sst s2  }
0xb: {  	[smem:$0x3FAD] =	sst s3  }
0xc: {  	[smem:$0x3FAE] =	sst s4  }
0xd: {  	[smem:$0x3FAF] =	sst s5  }
0xe: {  	[smem:$0x3FB0] =	sst s6  }
0xf: {  	[smem:$0x3FB1] =	sst s7  }
0x10: {  	[smem:$0x3FB2] =	sst s8  }
0x11: {  	[smem:$0x3FB3] =	sst s9;
	s0 =	simm.s32 @!p0 $0x0  }
0x12: {  	s1 =	sld [smem:$0x3F99];
	s0 =	simm.s32 @p0 $0x1  }
0x13: {  	[smem:$0x3FB4] =	sst s0;
	s0 =	simm.s32 @!p1 $0x0  }
0x14: {  	s2 =	sld [smem:$0x3F98];
	s0 =	simm.s32 @p1 $0x1  }
0x15: {  	[smem:$0x3FB5] =	sst s0;
	s0 =	simm.s32 @!p2 $0x0  }
0x16: {  	s3 =	sld [smem:$0x3FDB];
	s0 =	simm.s32 @p2 $0x1  }
0x17: {  	s4 =	simm.s32 $0x1BF5;
	[smem:$0x3FB7] =	sst s0  }
0x18: {  	s0 =	sld [smem:$0x3F9A];
	_ =	swait.ge [sflag:s4], $0x0  }
0x19: {  	s7 =	sld [smem:$0x3F9B]  }
0x1a: {  	s8 =	sadd.s32 $0xFFFFE003, lr  }
0x1b: {  	s9 =	sadd.s32 $0xFFFFFEF7, lr;
	s5 =	simm.s32 $0xFFFFFFFF;
	p2 =	slt.u32 s8, $0xFFFFF086  }
0x1c: {  	p1 =	slt.u32 s9, $0xF7A;
	s5 =	simm.s32 @!p2 $0x0  }
0x1d: {  	s5 =	simm.s32 @p1 $0x1;
	p0 =	seq.s32 s7, s2  }
0x1e: {  	s7 =	smul.u32 @!p0 $0xF7A, s2;
	p2 =	seq.s32 @!p0 s5, $0x0  }
0x1f: {  	s9 =	smul.u32 $0xF7A, s1;
	s8 =	simm.s32 @!p0 $0x1BF5;
	p2 =	por !p2, p0  }
0x20: {  	[sflag:s8] =	ssyncset.s32 @!p0 $0xFFFFF086;
	s6 =	sadd.s32 @!p0 s3, s7;
	s7 =	simm.s32 @!p0 $0x108  }
0x21: {  	s3 =	sadd.s32 s3, s9;
	s6 =	sadd.s32 @!p0 $0x88, s6;
	s7 =	simm.s32 @p2 $0x1082  }
0x22: {  	[simem:s7], [sflag:s8] =	dma.local @!p0 [hbm:s6], $0xF7A  }
0x23: {  	s9 =	sor.u32 $0xD0000000, s2;
	s6 =	simm.s32 $0x108;
	_ =	swait.ge @!p0 [sflag:s8], $0x0  }
0x24: {  	s3 =	sadd.s32 $0x88, s3;
	s6 =	simm.s32 @!p1 $0x1082;
	[sflag:s4] =	ssyncset.s32 $0xFFFFF086  }
0x25: {  	[simem:s6], [sflag:s4] =	dma.local [hbm:s3], $0xF7A  }
0x26: {  	[smem:$0x3F9B] =	sst s1;
	(tag) =	ssettag s2;
	_ =	strace s9  }
0x27: {  	s1 =	sld [smem:$0x3FAB]  }
0x28: {  	s2 =	sld [smem:$0x3FAC]  }
0x29: {  	s4 =	sld [smem:$0x3FAE]  }
0x2a: {  	p0 =	seq.s32 s5, $0x0;
	s5 =	sld [smem:$0x3FAF]  }
0x2b: {  	s6 =	sld [smem:$0x3FB0]  }
0x2c: {  	s7 =	sld [smem:$0x3FB1]  }
0x2d: {  	s3 =	simm.s32 $0x108;
	s8 =	sld [smem:$0x3FB2]  }
0x2e: {  	s3 =	simm.s32 @!p0 $0x1082;
	s9 =	sld [smem:$0x3FB3]  }
0x2f: {  	lr =	sadd.s32 s0, s3;
	s0 =	sld [smem:$0x3FAA]  }
0x30: {  	s3 =	sld [smem:$0x3FAD]  }
0x31: {  	[smem:$0x3FB6] =	sst s10  }
0x32: {  	s10 =	sld [smem:$0x3FB4];
	_ =	sdelay $0x3  }
0x33: {  	p0 =	seq.s32 s10, $0x1;
	s10 =	sld [smem:$0x3FB6];
	_ =	sdelay $0x3  }
0x34: {  	[smem:$0x3FB6] =	sst s10  }
0x35: {  	s10 =	sld [smem:$0x3FB5];
	_ =	sdelay $0x3  }
0x36: {  	p1 =	seq.s32 s10, $0x1;
	s10 =	sld [smem:$0x3FB6];
	_ =	sdelay $0x3  }
0x37: {  	[smem:$0x3FB6] =	sst s10  }
0x38: {  	s10 =	sld [smem:$0x3FB7]  }
0x39: {  	_ = 	snop;
	(pc) =	sbr.ind lr, $3  }
0x3a: {  	_ = 	snop  }
0x3b: {  	_ = 	snop  }
0x3c: {  	p2 =	seq.s32 s10, $0x1;
	s10 =	sld [smem:$0x3FB6]  }
0x3d: {  	_ =	shalt  }
0x3e: {  	_ =	shalt  }
0x3f: {  	_ =	shalt  }
0x40: {  	_ =	shalt  }
0x41: {  	_ =	shalt  }
0x42: {  	_ =	shalt  }
0x43: {  	_ =	shalt  }
0x44: {  	_ =	shalt  }
0x45: {  	_ =	shalt  }
0x46: {  	_ =	shalt  }
0x47: {  	_ =	shalt  }
0x48: {  	_ =	shalt  }
0x49: {  	_ =	shalt  }
0x4a: {  	_ =	shalt  }
0x4b: {  	_ =	shalt  }
0x4c: {  	_ =	shalt  }
0x4d: {  	_ =	shalt  }
0x4e: {  	_ =	shalt  }
0x4f: {  	_ =	shalt  }
0x50: {  	_ =	shalt  }
0x51: {  	_ =	shalt  }
0x52: {  	_ =	shalt  }
0x53: {  	_ =	shalt  }
0x54: {  	_ =	shalt  }
0x55: {  	_ =	shalt  }
0x56: {  	_ =	shalt  }
0x57: {  	_ =	shalt  }
0x58: {  	_ =	shalt  }
0x59: {  	_ =	shalt  }
0x5a: {  	_ =	shalt  }
0x5b: {  	_ =	shalt  }
0x5c: {  	_ =	shalt  }
0x5d: {  	_ =	shalt  }
0x5e: {  	_ =	shalt  }
0x5f: {  	_ =	shalt  }
0x60: {  	_ =	shalt  }
0x61: {  	_ =	shalt  }
0x62: {  	_ =	shalt  }
0x63: {  	_ =	shalt  }
0x64: {  	_ =	shalt  }
0x65: {  	_ =	shalt  }
0x66: {  	_ =	shalt  }
0x67: {  	_ =	shalt  }
0x68: {  	_ =	shalt  }
0x69: {  	_ =	shalt  }
0x6a: {  	_ =	shalt  }
0x6b: {  	_ =	shalt  }
0x6c: {  	_ =	shalt  }
0x6d: {  	_ =	shalt  }
0x6e: {  	_ =	shalt  }
0x6f: {  	_ =	shalt  }
0x70: {  	_ =	shalt  }
0x71: {  	_ =	shalt  }
0x72: {  	_ =	shalt  }
0x73: {  	_ =	shalt  }
0x74: {  	_ =	shalt  }
0x75: {  	_ =	shalt  }
0x76: {  	_ =	shalt  }
0x77: {  	_ =	shalt  }
0x78: {  	_ =	shalt  }
0x79: {  	_ =	shalt  }
0x7a: {  	_ =	shalt  }
0x7b: {  	_ =	shalt  }
0x7c: {  	_ =	shalt  }
0x7d: {  	_ =	shalt  }
0x7e: {  	_ =	shalt  }
0x7f: {  	_ =	shalt  }
0x80: {  	_ =	shalt  }
0x81: {  	_ =	shalt  }
0x82: {  	_ =	shalt  }
0x83: {  	_ =	shalt  }
0x84: {  	_ =	shalt  }
0x85: {  	_ =	shalt  }
0x86: {  	_ =	shalt  }
0x87: {  	_ =	shalt  }
.Lfunc_end0:
.L_simem_size_0:
called_computation_lowered:
.L_overlay_start_0:
0x88: {  	s2 =	sld [smem:$0x3FD9]  }
0x89: {  	s3 =	sld [smem:$0x3FFE];
	_ =	sdelay $0x1  }
0x8a: {  	s1 =	srdreg.scid  }
0x8b: {  	s0 =	sand.u32 $0x1, s1  }
0x8c: {  	s17 =	sshll.u32 s0, $0xA;
	s2 =	sadd.s32 s3, s2  }
0x8d: {  	s2 =	sadd.s32 s2, s17  }
0x8e: {  	[smem:$0x3FC2] =	sst s2  }
0x8f: {  	_ = 	snop  }
0x90: {  	s2 =	sld [smem:$0x3FC9]  }
0x91: {  	s18 =	sld [smem:$0x3FC8];
	(tm) =	ssettm $0x1  }
0x92: {  	s4 =	sld [smem:$0x3FFB];
	_ =	sdelay $0x3  }
0x93: {  	_ =	strace s4  }
0x94: {  	s4 =	sld [smem:$0x3FFC];
	_ =	sdelay $0x3  }
0x95: {  	_ =	strace s4  }
0x96: {  	s4 =	sld [smem:$0x3FFD];
	_ =	sdelay $0x3  }
0x97: {  	_ =	strace s4  }
0x98: {  	_ =	strace $0x8FFFFFFF  }
0x99: {  	s19 =	sld [smem:$0x3FDB];
	_ =	sdelay $0x1  }
0x9a: {  	s5 =	simm.s32 $_scs_section_size  }
0x9b: {  	s6 =	simm.s32 $_size__tile_overlayer_lowered;
	s7 =	simm.s32 $_tile_overlayer_lowered  }
0x9c: {  	s22 =	simm.s32 $0x1BFF;
	s21 =	sshll.u32 s7, $0x1;
	s4 =	sadd.s32 s5, s19  }
0x9d: {  	s8 =	simm.s32 $0x0;
	s20 =	sshll.u32 s6, $0x1;
	s6 =	sadd.s32 s21, s4  }
0x9e: {  	[timem:s8], [sflag:s22] =	dma.local [hbm:s6], s20  }
0x9f: {  	_ =	swait.ge [sflag:s22], s20  }
0xa0: {  	s5 =	ssub.s32 $0x0, s20;
	[sflag:s22] =	ssyncset.done $0x0  }
0xa1: {  	[sflag:s22] =	ssyncadd.s32 s5;
	_ =	sdelay $0x1  }
0xa2: {  	s23 =	simm.s32 $0x1B8B  }
0xa3: {  	_ =	swait.ge [sflag:s23], $0x1  }
0xa4: {  	[sflag:s23] =	ssyncset.done $0x0  }
0xa5: {  	s25 =	simm.s32 $0x1B8E;
	s24 =	sld [smem:$0x3FFE];
	[sflag:s23] =	ssyncadd.s32 $0xFFFFFFFF  }
0xa6: {  	s26 =	simm.s32 $execute0_lowered;
	[smem:$0x3FD2] =	sst s25  }
0xa7: {  	s6 =	sshll.u32 s26, $0x1;
	_ =	strace $0x80000046;
	[dreg:$0x1] =	wrdreg $0xFFFFFFFF  }
0xa8: {  	s28 =	simm.s32 $_size_execute0_lowered;
	s4 =	sadd.s32 s4, s6;
	[dreg:$0x0] =	wrdreg $0x0  }
0xa9: {  	s6 =	sshll.u32 s28, $0x1;
	[dreg:$0x2] =	wrdreg s4  }
0xaa: {  	[dreg:$0x3] =	wrdreg s6  }
0xab: {  	[dreg:$0x4] =	wrdreg $0xC0  }
0xac: {  	_ =	task [dreg:s8], $0x5FFFF  }
0xad: {  	[dreg:$0x1] =	wrdreg $0xFFFFFFFF  }
0xae: {  	[dreg:$0x0] =	wrdreg $0x60  }
0xaf: {  	[dreg:$0x2] =	wrdreg s2  }
0xb0: {  	[dreg:$0x3] =	wrdreg s18  }
0xb1: {  	[dreg:$0x4] =	wrdreg s24  }
0xb2: {  	[dreg:$0x5] =	wrdreg $0x1BC800  }
0xb3: {  	[dreg:$0x6] =	wrdreg $0x9  }
0xb4: {  	_ =	task.clear_ibuf [dreg:s8], $0x7FFFF;
	_ =	strace $0x90000046  }
0xb5: {  	s29 =	simm.s32 $0x9;
	_ =	strace $0x80000048  }
0xb6: {  	_ =	swait.ge [sflag:s29], $0x1  }
0xb7: {  	[sflag:s29] =	ssyncadd.s32 $0xFFFFFFFF  }
0xb8: {  	_ =	strace $0x90000048  }
0xb9: {  	_ =	sfence  }
0xba: {  	s30 =	sld [smem:$0x0];
	_ =	sdelay $0x2  }
0xbb: {  	s31 =	sshll.u32 s1, $0xD;
	s1 =	sshrl.u32 s1, $0x2  }
0xbc: {  	s3 =	sand.u32 $0x4000, s31;
	s1 =	sadd.s32 s1, s30  }
0xbd: {  	s0 =	sor.u32 s3, s0;
	s1 =	sshll.u32 s1, $0x11  }
0xbe: {  	s0 =	sor.u32 s1, s0  }
0xbf: {  	s0 =	sadd.s32 $0x8F2B, s0  }
0xc0: {  	[sflag:s0] =	ssyncadd.remote.s32 $0x1  }
0xc1: {  	_ =	sfence.sel $0xFFFF  }
0xc2: {  	[dreg:$0x0] =	wrdreg $0xFFFFFFFF;
	(pc) =	sbr.abs _section_cstart, $3  }
0xc3: {  	[dreg:$0x1] =	wrdreg $0xFFFFFFFF  }
0xc4: {  	_ =	task.clear_ibuf [dreg:s8], $0x2FFFF;
	_ =	strace $0x9FFFFFFF  }
0xc5: {  	(tm) =	ssettm $0x7FFFFFFF  }
tec
execute0_lowered:
.L_overlay_start_1:
0x0: {  	(tag) =	ssettag $0x1  }
0x1: {  	s0 =	rddreg [dreg:$0x0]  }
0x2: {  	s5 =	rddreg [dreg:$0x1]  }
0x3: {  	s4 =	rddreg [dreg:$0x2]  }
0x4: {  	s1 =	rddreg [dreg:$0x3];
	s2 =	srdreg.scid  }
0x5: {  	s3 =	simm.s32 $0x0;
	s16 =	stileid.u32;
	s22 =	simm.s32 $0x800  }
0x6: {  	s23 =	simm.s32 $0x1000;
	s24 =	simm.s32 $0x1800;
	[smem:$0x7FF] =	sst s3  }
0x7: {  	s25 =	simm.s32 $0x2000;
	_ =	strace $0x80000047;
	[dreg:$0x5] =	wrdreg s22  }
0x8: {  	s26 =	simm.s32 $0x2800;
	s28 =	simm.s32 $0x3000;
	[dreg:$0x6] =	wrdreg s23  }
0x9: {  	s29 =	simm.s32 $0x3800;
	s15 =	simm.s32 $0x19C80;
	[dreg:$0x7] =	wrdreg s24  }
0xa: {  	s30 =	simm.s32 $0x4000;
	s31 =	simm.s32 $0x4800;
	[dreg:$0x8] =	wrdreg s25  }
0xb: {  	s9 =	sand.u32 $0x1, s2;
	s17 =	sshll.u32 s16, $0xA;
	[dreg:$0x9] =	wrdreg s26  }
0xc: {  	s19 =	sshll.u32 s16, $0xD;
	s6 =	sshll.u32 s9, $0x4;
	[dreg:$0xa] =	wrdreg s28  }
0xd: {  	s7 =	ssub.s32 $0x2, s9;
	s11 =	sadd.s32 s17, s4;
	[dreg:$0xb] =	wrdreg s29  }
0xe: {  	s4 =	simm.s32 $0x14;
	s20 =	sshll.u32 s9, $0xE;
	[dreg:$0xc] =	wrdreg s30  }
0xf: {  	s9 =	sadd.s32 s19, s1;
	s17 =	simm.s32 $0xB;
	[dreg:$0xd] =	wrdreg s31  }
0x10: {  	s19 =	simm.s32 $0x6;
	s22 =	simm.s32 $0x9;
	s23 =	simm.s32 $0xA  }
0x11: {  	s24 =	simm.s32 $0x0;
	s13 =	sor.u32 s16, s6;
	s8 =	sshrl.u32 s7, $0x1  }
0x12: {  	s21 =	sadd.s32 s20, s11;
	s16 =	simm.s32 $0xC;
	s20 =	simm.s32 $0x7  }
0x13: {  	s10 =	smul.u32 $0xBE0, s13;
	s12 =	ssub.s32 s7, s8;
	p0 =	slt.u32 s13, $0x11  }
0x14: {  	s6 =	smul.u32 $0xC80, s13;
	s4 =	simm.s32 @!p0 $0x13;
	s11 =	smax.u32 s12, $0x1  }
0x15: {  	s7 =	sadd.s32 $0xAA0, s10;
	s10 =	sadd.s32 $0xC00, s21;
	s21 =	simm.s32 $0x8  }
0x16: {  	s7 =	smov.u32 @p0 s6;
	s6 =	sshrl.u32 s6, $0x3;
	p0 =	sgt.u32 s13, $0x10  }
0x17: {  	s18 =	sshrl.u32 s7, $0x3;
	s6 =	sadd.s32 s5, s6;
	s7 =	sshll.u32 s7, $0x4  }
0x18: {  	s5 =	sadd.s32 s5, s18;
	s6 =	sadd.s32 $0x17C, s6;
	s7 =	sadd.s32 s0, s7  }
0x19: {  	v0 =	vimm.f32 $0.0e+00;
	vm0 =	vmmov $0xffff;
	s18 =	simm.s32 $0x1;
	s8 =	sadd.s32 $0xA00, s7;
	s12 =	sadd.s32 $0x3C00, s7  }
.LBB2_1:
0x1a: {  	s0 =	simm.s32 $0x19000  }
0x1b: {  	[tilespmem:s0], [sflag:$0xB] =	stream.linear.gather [hbm4b:s5+s3], $0xBE0, $0x38;
	[tilespmem:$0x1DC80] =	vst v63  }
0x1c: {  	s25 =	simm.s32 @!p0 $0x19BE0;
	s0 =	simm.s32 @!p0 $0x0  }
0x1d: {  	[tilespmem:s25], [sflag:$0xB] =	stream.linear.gather @!p0 [hbm4b:s6+s0], $0xA0, $0x38;
	[tilespmem:$0x1DC80] =	vst v63  }
0x1e: {  	_ = 	snop  }
0x1f: {  	[tilespmem:s3], [sflag:$0x1] =	stream.linear.gather [hbm4b:s7+s3], $0x5000, $0x38;
	[tilespmem:$0x1DC80] =	vst v63  }
0x20: {  	s31 =	simm.s32 $0x5000;
	s0 =	simm.s32 $0x0;
	s25 =	simm.s32 $0x200  }
0x21: {  	[tilespmem:s31], [sflag:$0x2] =	stream.linear.gather [hbm4b:s8+s3], $0x5000, $0x38;
	[tilespmem:$0x1DC80] =	vst v63  }
.LBB2_2:
0x22: {  	p1 =	sne.s32 s25, $0x7E00;
	[tilespmem:s0+$0x19CF0] =	vst v0  }
0x23: {  	[tilespmem:s0+$0x19C80] =	vst v0  }
0x24: {  	[tilespmem:s0+$0x19C90] =	vst v0  }
.Ltmp0:
0x25: {  	[tilespmem:s0+$0x19CA0] =	vst v0;
	(pc) =	sbr.rel @p1 .LBB2_2-.Ltmp0, $4  }
0x26: {  	[tilespmem:s0+$0x19CB0] =	vst v0  }
0x27: {  	[tilespmem:s0+$0x19CC0] =	vst v0  }
0x28: {  	[tilespmem:s0+$0x19CD0] =	vst v0  }
0x29: {  	[tilespmem:s0+$0x19CE0] =	vst v0;
	s0 =	sshra.s32 s25, $0x2;
	s25 =	sadd.s32 $0x200, s25  }
0x2a: {  	[tilespmem:s0+$0x19CF0] =	vst v0  }
0x2b: {  	[tilespmem:s0+$0x19C80] =	vst v0  }
0x2c: {  	[tilespmem:s0+$0x19C90] =	vst v0  }
0x2d: {  	[tilespmem:s0+$0x19CA0] =	vst v0  }
0x2e: {  	[tilespmem:s0+$0x19CB0] =	vst v0  }
0x2f: {  	[tilespmem:s0+$0x19CC0] =	vst v0  }
0x30: {  	[tilespmem:s0+$0x19CD0] =	vst v0  }
0x31: {  	[tilespmem:s0+$0x19CE0] =	vst v0  }
0x32: {  	[spmem:s9] =	stream.linear.scatter [tilespmem:s15], [sflag:$0xC], $0x2000, $0x38;
	[tilespmem:$0x1DC80] =	vst v63  }
0x33: {  	_ =	swait.ge [sflag:s16], $0x2000  }
0x34: {  	[sflag:s16] =	ssyncset.done $0x0  }
0x35: {  	[sflag:s16] =	ssyncadd.s32 $0xFFFFE000  }
0x36: {  	_ =	swait.ge [sflag:s17], $0xBE0  }
0x37: {  	[sflag:s17] =	ssyncset.done $0x0  }
0x38: {  	s0 =	simm.s32 @!p0 $0xB;
	[sflag:s17] =	ssyncadd.s32 $0xFFFFF420  }
0x39: {  	_ =	swait.ge @!p0 [sflag:s0], $0xA0  }
0x3a: {  	s25 =	simm.s32 $0x6;
	s26 =	simm.s32 $0x0;
	[sflag:s0] =	ssyncset.done @!p0 $0x0  }
0x3b: {  	s28 =	simm.s32 $0x19080;
	s29 =	simm.s32 $0x280;
	[sflag:s0] =	ssyncadd.s32 @!p0 $0xFFFFFF60  }
0x3c: {  	s30 =	simm.s32 $0x19190;
	s31 =	smov.u32 s12;
	[bflag:$0x0] =	sbarrier.arrive $0xFFFF  }
.LBB2_4:
0x3d: {  	p1 =	seq.s32 s25, $0x6;
	s0 =	sadd.s32 $0xFFFFFFFC, s25  }
0x3e: {  	p2 =	sge.u32 @!p1 s0, s4  }
0x3f: {  	p1 =	por p2, p1  }
0x40: {  	s13 =	simm.s32 @!p1 $0x8  }
0x41: {  	_ =	swait.ge @!p1 [sflag:s13], $0x5000  }
0x42: {  	[sflag:s13] =	ssyncset.done @!p1 $0x0  }
0x43: {  	[sflag:s13] =	ssyncadd.s32 @!p1 $0xFFFFB000;
	p1 =	sge.u32 s0, s4  }
0x44: {  	s13 =	sadd.s32 @!p1 $0xFFFFD800, s31;
	s2 =	simm.s32 @!p1 $0x0;
	s0 =	simm.s32 @!p1 $0xA000  }
0x45: {  	[tilespmem:s0], [sflag:$0x3] =	stream.linear.gather @!p1 [hbm4b:s13+s2], $0x5000, $0x38;
	[tilespmem:$0x1DC80] =	vst v63  }
0x46: {  	_ =	swait.ge [sflag:s18], $0x5000  }
0x47: {  	[sflag:s18] =	ssyncset.done $0x0  }
0x48: {  	[sflag:s18] =	ssyncadd.s32 $0xFFFFB000  }
0x49: {  	v1 =	vld [tilespmem:s30+$0xFFFFFE70];
	_ =	sdelay $0x7  }
0x4a: {  	[spmem:s1] =	stream.indirect_vreg.scatter.add.f32 [tilespmem:s3], [sflag:$0x6], $0x80, v1, vm0, $0xb8;
	[tilespmem:$0x1DC80] =	vst v63  }
0x4b: {  	v1 =	vld [tilespmem:s30+$0xFFFFFE80];
	_ =	sdelay $0x6  }
0x4c: {  	s14 =	rddreg [dreg:$0x5]  }
0x4d: {  	[spmem:s1] =	stream.indirect_vreg.scatter.add.f32 [tilespmem:s14], [sflag:$0x6], $0x80, v1, vm0, $0xb8;
	[tilespmem:$0x1DC80] =	vst v63  }
0x4e: {  	v1 =	vld [tilespmem:s30+$0xFFFFFE90];
	_ =	sdelay $0x6  }
0x4f: {  	s13 =	rddreg [dreg:$0x6]  }
0x50: {  	[spmem:s1] =	stream.indirect_vreg.scatter.add.f32 [tilespmem:s13], [sflag:$0x6], $0x80, v1, vm0, $0xb8;
	[tilespmem:$0x1DC80] =	vst v63  }
0x51: {  	v1 =	vld [tilespmem:s30+$0xFFFFFEA0];
	_ =	sdelay $0x6  }
0x52: {  	s14 =	rddreg [dreg:$0x7]  }
0x53: {  	[spmem:s1] =	stream.indirect_vreg.scatter.add.f32 [tilespmem:s14], [sflag:$0x6], $0x80, v1, vm0, $0xb8;
	[tilespmem:$0x1DC80] =	vst v63  }
0x54: {  	v1 =	vld [tilespmem:s30+$0xFFFFFEB0];
	_ =	sdelay $0x6  }
0x55: {  	s13 =	rddreg [dreg:$0x8]  }
0x56: {  	[spmem:s1] =	stream.indirect_vreg.scatter.add.f32 [tilespmem:s13], [sflag:$0x6], $0x80, v1, vm0, $0xb8;
	[tilespmem:$0x1DC80] =	vst v63  }
0x57: {  	v1 =	vld [tilespmem:s30+$0xFFFFFEC0];
	_ =	sdelay $0x6  }
0x58: {  	s14 =	rddreg [dreg:$0x9]  }
0x59: {  	[spmem:s1] =	stream.indirect_vreg.scatter.add.f32 [tilespmem:s14], [sflag:$0x6], $0x80, v1, vm0, $0xb8;
	[tilespmem:$0x1DC80] =	vst v63  }
0x5a: {  	v1 =	vld [tilespmem:s30+$0xFFFFFED0];
	_ =	sdelay $0x6  }
0x5b: {  	s13 =	rddreg [dreg:$0xa]  }
0x5c: {  	[spmem:s1] =	stream.indirect_vreg.scatter.add.f32 [tilespmem:s13], [sflag:$0x6], $0x80, v1, vm0, $0xb8;
	[tilespmem:$0x1DC80] =	vst v63  }
0x5d: {  	v1 =	vld [tilespmem:s30+$0xFFFFFEE0];
	_ =	sdelay $0x4  }
0x5e: {  	s14 =	sshll.u32 s26, $0x2  }
0x5f: {  	s13 =	sand.u32 $0xFFFFFE00, s14  }
0x60: {  	s2 =	rddreg [dreg:$0xb];
	s13 =	sshra.s32 s13, $0x2  }
0x61: {  	[spmem:s1] =	stream.indirect_vreg.scatter.add.f32 [tilespmem:s2], [sflag:$0x6], $0x80, v1, vm0, $0xb8;
	[tilespmem:$0x1DC80] =	vst v63  }
0x62: {  	s2 =	sadd.s32 s13, s28  }
0x63: {  	v1 =	vld [tilespmem:s2+$0x0];
	_ =	sdelay $0x6  }
0x64: {  	s14 =	rddreg [dreg:$0xc]  }
0x65: {  	[spmem:s1] =	stream.indirect_vreg.scatter.add.f32 [tilespmem:s14], [sflag:$0x6], $0x80, v1, vm0, $0xb8;
	[tilespmem:$0x1DC80] =	vst v63  }
0x66: {  	v1 =	vld [tilespmem:s30+$0xFFFFFF00]  }
0x67: {  	s14 =	sadd.s32 $0xFFFFFFFB, s25  }
0x68: {  	p2 =	sge.u32 s14, s4  }
0x69: {  	p3 =	seq.s32 @!p2 s25, $0x6  }
0x6a: {  	s2 =	sadd.s32 @!p2 $0xFFFFFFFD, s25;
	p4 =	por p3, p2  }
0x6b: {  	p4 =	sge.u32 @!p4 s2, s4  }
0x6c: {  	p3 =	por @!p2 p4, p3  }
0x6d: {  	s13 =	rddreg [dreg:$0xd];
	p3 =	por p3, p2  }
0x6e: {  	[spmem:s1] =	stream.indirect_vreg.scatter.add.f32 [tilespmem:s13], [sflag:$0x6], $0x80, v1, vm0, $0xb8;
	[tilespmem:$0x1DC80] =	vst v63  }
0x6f: {  	s13 =	simm.s32 @!p3 $0x9  }
0x70: {  	_ =	swait.ge @!p3 [sflag:s13], $0x5000  }
0x71: {  	p4 =	sge.u32 @!p2 s2, s4;
	[sflag:s13] =	ssyncset.done @!p3 $0x0  }
0x72: {  	[sflag:s13] =	ssyncadd.s32 @!p3 $0xFFFFB000;
	p3 =	por p4, p2  }
0x73: {  	s2 =	sadd.s32 @!p3 $0xFFFFE200, s31;
	s13 =	simm.s32 @!p3 $0x0;
	s14 =	simm.s32 @!p3 $0xF000  }
0x74: {  	[tilespmem:s14], [sflag:$0x4] =	stream.linear.gather @!p3 [hbm4b:s2+s13], $0x5000, $0x38;
	[tilespmem:$0x1DC80] =	vst v63  }
0x75: {  	s2 =	simm.s32 @!p2 $0x2  }
0x76: {  	_ =	swait.ge @!p2 [sflag:s2], $0x5000  }
0x77: {  	[sflag:s2] =	ssyncset.done @!p2 $0x0  }
0x78: {  	[sflag:s2] =	ssyncadd.s32 @!p2 $0xFFFFB000  }
0x79: {  	v1 =	vld @!p2 [tilespmem:s30+$0xFFFFFF10];
	_ =	sdelay $0x6  }
0x7a: {  	vm1 =	vmmov @!p2 $0xffff;
	s2 =	simm.s32 @!p2 $0x5000  }
0x7b: {  	[spmem:s1] =	stream.indirect_vreg.scatter.add.f32 @!p2 [tilespmem:s2], [sflag:$0x7], $0x80, v1, vm1, $0xb8;
	[tilespmem:$0x1DC80] =	vst v63  }
0x7c: {  	v1 =	vld @!p2 [tilespmem:s30+$0xFFFFFF20];
	_ =	sdelay $0x6  }
0x7d: {  	s2 =	simm.s32 @!p2 $0x5800  }
0x7e: {  	[spmem:s1] =	stream.indirect_vreg.scatter.add.f32 @!p2 [tilespmem:s2], [sflag:$0x7], $0x80, v1, vm1, $0xb8;
	[tilespmem:$0x1DC80] =	vst v63  }
0x7f: {  	v1 =	vld @!p2 [tilespmem:s30+$0xFFFFFF30];
	_ =	sdelay $0x6  }
0x80: {  	s2 =	simm.s32 @!p2 $0x6000  }
0x81: {  	[spmem:s1] =	stream.indirect_vreg.scatter.add.f32 @!p2 [tilespmem:s2], [sflag:$0x7], $0x80, v1, vm1, $0xb8;
	[tilespmem:$0x1DC80] =	vst v63  }
0x82: {  	v1 =	vld @!p2 [tilespmem:s30+$0xFFFFFF40];
	_ =	sdelay $0x6  }
0x83: {  	s2 =	simm.s32 @!p2 $0x6800  }
0x84: {  	[spmem:s1] =	stream.indirect_vreg.scatter.add.f32 @!p2 [tilespmem:s2], [sflag:$0x7], $0x80, v1, vm1, $0xb8;
	[tilespmem:$0x1DC80] =	vst v63  }
0x85: {  	v1 =	vld @!p2 [tilespmem:s30+$0xFFFFFF50];
	_ =	sdelay $0x6  }
0x86: {  	s2 =	simm.s32 @!p2 $0x7000  }
0x87: {  	[spmem:s1] =	stream.indirect_vreg.scatter.add.f32 @!p2 [tilespmem:s2], [sflag:$0x7], $0x80, v1, vm1, $0xb8;
	[tilespmem:$0x1DC80] =	vst v63  }
0x88: {  	v1 =	vld @!p2 [tilespmem:s30+$0xFFFFFF60];
	_ =	sdelay $0x6  }
0x89: {  	s2 =	simm.s32 @!p2 $0x7800  }
0x8a: {  	[spmem:s1] =	stream.indirect_vreg.scatter.add.f32 @!p2 [tilespmem:s2], [sflag:$0x7], $0x80, v1, vm1, $0xb8;
	[tilespmem:$0x1DC80] =	vst v63  }
0x8b: {  	v1 =	vld @!p2 [tilespmem:s30+$0xFFFFFF70];
	_ =	sdelay $0x6  }
0x8c: {  	s2 =	simm.s32 @!p2 $0x8000  }
0x8d: {  	[spmem:s1] =	stream.indirect_vreg.scatter.add.f32 @!p2 [tilespmem:s2], [sflag:$0x7], $0x80, v1, vm1, $0xb8;
	[tilespmem:$0x1DC80] =	vst v63  }
0x8e: {  	v1 =	vld @!p2 [tilespmem:s30+$0xFFFFFF80];
	_ =	sdelay $0x5  }
0x8f: {  	s2 =	sadd.s32 @!p2 $0xA0, s26  }
0x90: {  	s13 =	simm.s32 @!p2 $0x8800;
	s2 =	sand.u32 @!p2 $0x1FE0, s2  }
0x91: {  	[spmem:s1] =	stream.indirect_vreg.scatter.add.f32 @!p2 [tilespmem:s13], [sflag:$0x7], $0x80, v1, vm1, $0xb8;
	[tilespmem:$0x1DC80] =	vst v63  }
0x92: {  	v1 =	vld @!p2 [tilespmem:s2+$0x19080];
	_ =	sdelay $0x6  }
0x93: {  	s2 =	simm.s32 @!p2 $0x9000  }
0x94: {  	[spmem:s1] =	stream.indirect_vreg.scatter.add.f32 @!p2 [tilespmem:s2], [sflag:$0x7], $0x80, v1, vm1, $0xb8;
	[tilespmem:$0x1DC80] =	vst v63  }
0x95: {  	v1 =	vld @!p2 [tilespmem:s30+$0xFFFFFFA0];
	_ =	sdelay $0x6  }
0x96: {  	s2 =	simm.s32 @!p2 $0x9800  }
0x97: {  	[spmem:s1] =	stream.indirect_vreg.scatter.add.f32 @!p2 [tilespmem:s2], [sflag:$0x7], $0x80, v1, vm1, $0xb8;
	[tilespmem:$0x1DC80] =	vst v63  }
0x98: {  	p2 =	seq.s32 @!p1 s25, $0x6  }
0x99: {  	s2 =	sadd.s32 @!p1 $0xFFFFFFFE, s25;
	p3 =	por p2, p1  }
0x9a: {  	p3 =	sge.u32 @!p3 s2, s4  }
0x9b: {  	p2 =	por @!p1 p3, p2  }
0x9c: {  	p2 =	por p2, p1  }
0x9d: {  	s13 =	simm.s32 @!p2 $0xA  }
0x9e: {  	_ =	swait.ge @!p2 [sflag:s13], $0x5000  }
0x9f: {  	p3 =	sge.u32 @!p1 s2, s4;
	[sflag:s13] =	ssyncset.done @!p2 $0x0  }
0xa0: {  	[sflag:s13] =	ssyncadd.s32 @!p2 $0xFFFFB000;
	p2 =	por p3, p1  }
0xa1: {  	s2 =	sadd.s32 @!p2 $0xFFFFEC00, s31;
	s13 =	simm.s32 @!p2 $0x0;
	s14 =	simm.s32 @!p2 $0x14000  }
0xa2: {  	[tilespmem:s14], [sflag:$0x5] =	stream.linear.gather @!p2 [hbm4b:s2+s13], $0x5000, $0x38;
	[tilespmem:$0x1DC80] =	vst v63  }
0xa3: {  	s2 =	simm.s32 @!p1 $0x3  }
0xa4: {  	_ =	swait.ge @!p1 [sflag:s2], $0x5000  }
0xa5: {  	[sflag:s2] =	ssyncset.done @!p1 $0x0  }
0xa6: {  	[sflag:s2] =	ssyncadd.s32 @!p1 $0xFFFFB000  }
0xa7: {  	v1 =	vld @!p1 [tilespmem:s30+$0xFFFFFFB0];
	_ =	sdelay $0x6  }
0xa8: {  	vm1 =	vmmov @!p1 $0xffff  }
0xa9: {  	[spmem:s1] =	stream.indirect_vreg.scatter.add.f32 @!p1 [tilespmem:s0], [sflag:$0x8], $0x80, v1, vm1, $0xb8;
	[tilespmem:$0x1DC80] =	vst v63  }
0xaa: {  	v1 =	vld @!p1 [tilespmem:s30+$0xFFFFFFC0];
	_ =	sdelay $0x6  }
0xab: {  	s0 =	simm.s32 @!p1 $0xA800  }
0xac: {  	[spmem:s1] =	stream.indirect_vreg.scatter.add.f32 @!p1 [tilespmem:s0], [sflag:$0x8], $0x80, v1, vm1, $0xb8;
	[tilespmem:$0x1DC80] =	vst v63  }
0xad: {  	v1 =	vld @!p1 [tilespmem:s30+$0xFFFFFFD0];
	_ =	sdelay $0x6  }
0xae: {  	s0 =	simm.s32 @!p1 $0xB000  }
0xaf: {  	[spmem:s1] =	stream.indirect_vreg.scatter.add.f32 @!p1 [tilespmem:s0], [sflag:$0x8], $0x80, v1, vm1, $0xb8;
	[tilespmem:$0x1DC80] =	vst v63  }
0xb0: {  	v1 =	vld @!p1 [tilespmem:s30+$0xFFFFFFE0];
	_ =	sdelay $0x6  }
0xb1: {  	s0 =	simm.s32 @!p1 $0xB800  }
0xb2: {  	[spmem:s1] =	stream.indirect_vreg.scatter.add.f32 @!p1 [tilespmem:s0], [sflag:$0x8], $0x80, v1, vm1, $0xb8;
	[tilespmem:$0x1DC80] =	vst v63  }
0xb3: {  	v1 =	vld @!p1 [tilespmem:s30+$0xFFFFFFF0];
	_ =	sdelay $0x6  }
0xb4: {  	s0 =	simm.s32 @!p1 $0xC000  }
0xb5: {  	[spmem:s1] =	stream.indirect_vreg.scatter.add.f32 @!p1 [tilespmem:s0], [sflag:$0x8], $0x80, v1, vm1, $0xb8;
	[tilespmem:$0x1DC80] =	vst v63  }
0xb6: {  	v1 =	vld @!p1 [tilespmem:s30+$0x0];
	_ =	sdelay $0x6  }
0xb7: {  	s0 =	simm.s32 @!p1 $0xC800  }
0xb8: {  	[spmem:s1] =	stream.indirect_vreg.scatter.add.f32 @!p1 [tilespmem:s0], [sflag:$0x8], $0x80, v1, vm1, $0xb8;
	[tilespmem:$0x1DC80] =	vst v63  }
0xb9: {  	v1 =	vld @!p1 [tilespmem:s30+$0x10];
	_ =	sdelay $0x6  }
0xba: {  	s0 =	simm.s32 @!p1 $0xD000  }
0xbb: {  	[spmem:s1] =	stream.indirect_vreg.scatter.add.f32 @!p1 [tilespmem:s0], [sflag:$0x8], $0x80, v1, vm1, $0xb8;
	[tilespmem:$0x1DC80] =	vst v63  }
0xbc: {  	v1 =	vld @!p1 [tilespmem:s30+$0x20];
	_ =	sdelay $0x5  }
0xbd: {  	s0 =	sadd.s32 @!p1 $0x140, s26  }
0xbe: {  	s2 =	simm.s32 @!p1 $0xD800;
	s0 =	sand.u32 @!p1 $0x1FE0, s0  }
0xbf: {  	[spmem:s1] =	stream.indirect_vreg.scatter.add.f32 @!p1 [tilespmem:s2], [sflag:$0x8], $0x80, v1, vm1, $0xb8;
	[tilespmem:$0x1DC80] =	vst v63  }
0xc0: {  	v1 =	vld @!p1 [tilespmem:s0+$0x19080];
	_ =	sdelay $0x6  }
0xc1: {  	s0 =	simm.s32 @!p1 $0xE000  }
0xc2: {  	[spmem:s1] =	stream.indirect_vreg.scatter.add.f32 @!p1 [tilespmem:s0], [sflag:$0x8], $0x80, v1, vm1, $0xb8;
	[tilespmem:$0x1DC80] =	vst v63  }
0xc3: {  	v1 =	vld @!p1 [tilespmem:s30+$0x40];
	_ =	sdelay $0x6  }
0xc4: {  	s2 =	sadd.s32 $0xFFFFFFFD, s25;
	s0 =	simm.s32 @!p1 $0xE800  }
0xc5: {  	[spmem:s1] =	stream.indirect_vreg.scatter.add.f32 @!p1 [tilespmem:s0], [sflag:$0x8], $0x80, v1, vm1, $0xb8;
	[tilespmem:$0x1DC80] =	vst v63  }
0xc6: {  	p1 =	sge.u32 s2, s4  }
0xc7: {  	s0 =	sadd.s32 @!p1 $0xFFFFFFFF, s25  }
0xc8: {  	p2 =	sge.u32 @!p1 s0, s4  }
0xc9: {  	p2 =	por p2, p1  }
0xca: {  	s0 =	simm.s32 @!p2 $0x6  }
0xcb: {  	_ =	swait.ge @!p2 [sflag:s0], $0x5000  }
0xcc: {  	[sflag:s0] =	ssyncset.done @!p2 $0x0  }
0xcd: {  	s2 =	simm.s32 @!p2 $0x0;
	[sflag:s0] =	ssyncadd.s32 @!p2 $0xFFFFB000;
	s0 =	sadd.s32 @!p2 $0xFFFFF600, s31  }
0xce: {  	[tilespmem:s2], [sflag:$0x1] =	stream.linear.gather @!p2 [hbm4b:s0+s2], $0x5000, $0x38;
	[tilespmem:$0x1DC80] =	vst v63  }
0xcf: {  	s0 =	simm.s32 @!p1 $0x4  }
0xd0: {  	_ =	swait.ge @!p1 [sflag:s0], $0x5000  }
0xd1: {  	[sflag:s0] =	ssyncset.done @!p1 $0x0  }
0xd2: {  	[sflag:s0] =	ssyncadd.s32 @!p1 $0xFFFFB000  }
0xd3: {  	v1 =	vld @!p1 [tilespmem:s30+$0x50];
	_ =	sdelay $0x6  }
0xd4: {  	vm1 =	vmmov @!p1 $0xffff;
	s0 =	simm.s32 @!p1 $0xF000  }
0xd5: {  	[spmem:s1] =	stream.indirect_vreg.scatter.add.f32 @!p1 [tilespmem:s0], [sflag:$0x9], $0x80, v1, vm1, $0xb8;
	[tilespmem:$0x1DC80] =	vst v63  }
0xd6: {  	v1 =	vld @!p1 [tilespmem:s30+$0x60];
	_ =	sdelay $0x6  }
0xd7: {  	s0 =	simm.s32 @!p1 $0xF800  }
0xd8: {  	[spmem:s1] =	stream.indirect_vreg.scatter.add.f32 @!p1 [tilespmem:s0], [sflag:$0x9], $0x80, v1, vm1, $0xb8;
	[tilespmem:$0x1DC80] =	vst v63  }
0xd9: {  	v1 =	vld @!p1 [tilespmem:s30+$0x70];
	_ =	sdelay $0x6  }
0xda: {  	s0 =	simm.s32 @!p1 $0x10000  }
0xdb: {  	[spmem:s1] =	stream.indirect_vreg.scatter.add.f32 @!p1 [tilespmem:s0], [sflag:$0x9], $0x80, v1, vm1, $0xb8;
	[tilespmem:$0x1DC80] =	vst v63  }
0xdc: {  	v1 =	vld @!p1 [tilespmem:s30+$0x80];
	_ =	sdelay $0x6  }
0xdd: {  	s0 =	simm.s32 @!p1 $0x10800  }
0xde: {  	[spmem:s1] =	stream.indirect_vreg.scatter.add.f32 @!p1 [tilespmem:s0], [sflag:$0x9], $0x80, v1, vm1, $0xb8;
	[tilespmem:$0x1DC80] =	vst v63  }
0xdf: {  	v1 =	vld @!p1 [tilespmem:s30+$0x90];
	_ =	sdelay $0x6  }
0xe0: {  	s0 =	simm.s32 @!p1 $0x11000  }
0xe1: {  	[spmem:s1] =	stream.indirect_vreg.scatter.add.f32 @!p1 [tilespmem:s0], [sflag:$0x9], $0x80, v1, vm1, $0xb8;
	[tilespmem:$0x1DC80] =	vst v63  }
0xe2: {  	v1 =	vld @!p1 [tilespmem:s30+$0xA0];
	_ =	sdelay $0x6  }
0xe3: {  	s0 =	simm.s32 @!p1 $0x11800  }
0xe4: {  	[spmem:s1] =	stream.indirect_vreg.scatter.add.f32 @!p1 [tilespmem:s0], [sflag:$0x9], $0x80, v1, vm1, $0xb8;
	[tilespmem:$0x1DC80] =	vst v63  }
0xe5: {  	v1 =	vld @!p1 [tilespmem:s30+$0xB0];
	_ =	sdelay $0x6  }
0xe6: {  	s0 =	simm.s32 @!p1 $0x12000  }
0xe7: {  	[spmem:s1] =	stream.indirect_vreg.scatter.add.f32 @!p1 [tilespmem:s0], [sflag:$0x9], $0x80, v1, vm1, $0xb8;
	[tilespmem:$0x1DC80] =	vst v63  }
0xe8: {  	v1 =	vld @!p1 [tilespmem:s30+$0xC0];
	_ =	sdelay $0x5  }
0xe9: {  	s0 =	sadd.s32 @!p1 $0x1E0, s26  }
0xea: {  	s2 =	simm.s32 @!p1 $0x12800;
	s0 =	sand.u32 @!p1 $0x1FE0, s0  }
0xeb: {  	[spmem:s1] =	stream.indirect_vreg.scatter.add.f32 @!p1 [tilespmem:s2], [sflag:$0x9], $0x80, v1, vm1, $0xb8;
	[tilespmem:$0x1DC80] =	vst v63  }
0xec: {  	v1 =	vld @!p1 [tilespmem:s0+$0x19080];
	_ =	sdelay $0x6  }
0xed: {  	s0 =	simm.s32 @!p1 $0x13000  }
0xee: {  	[spmem:s1] =	stream.indirect_vreg.scatter.add.f32 @!p1 [tilespmem:s0], [sflag:$0x9], $0x80, v1, vm1, $0xb8;
	[tilespmem:$0x1DC80] =	vst v63  }
0xef: {  	v1 =	vld @!p1 [tilespmem:s30+$0xE0];
	_ =	sdelay $0x6  }
0xf0: {  	s13 =	sadd.s32 $0xFFFFFFFE, s25;
	s0 =	simm.s32 @!p1 $0x13800  }
0xf1: {  	[spmem:s1] =	stream.indirect_vreg.scatter.add.f32 @!p1 [tilespmem:s0], [sflag:$0x9], $0x80, v1, vm1, $0xb8;
	[tilespmem:$0x1DC80] =	vst v63  }
0xf2: {  	p1 =	sge.u32 s13, s4  }
0xf3: {  	p2 =	sge.u32 @!p1 s25, s4  }
0xf4: {  	p2 =	por p2, p1  }
0xf5: {  	s0 =	simm.s32 @!p2 $0x7  }
0xf6: {  	_ =	swait.ge @!p2 [sflag:s0], $0x5000  }
0xf7: {  	[sflag:s0] =	ssyncset.done @!p2 $0x0  }
0xf8: {  	s2 =	simm.s32 @!p2 $0x5000;
	[sflag:s0] =	ssyncadd.s32 @!p2 $0xFFFFB000;
	s0 =	simm.s32 @!p2 $0x0  }
0xf9: {  	[tilespmem:s2], [sflag:$0x2] =	stream.linear.gather @!p2 [hbm4b:s31+s0], $0x5000, $0x38;
	[tilespmem:$0x1DC80] =	vst v63  }
0xfa: {  	s0 =	simm.s32 @!p1 $0x5  }
0xfb: {  	_ =	swait.ge @!p1 [sflag:s0], $0x5000  }
0xfc: {  	[sflag:s0] =	ssyncset.done @!p1 $0x0  }
0xfd: {  	[sflag:s0] =	ssyncadd.s32 @!p1 $0xFFFFB000  }
0xfe: {  	v1 =	vld @!p1 [tilespmem:s30+$0xF0];
	_ =	sdelay $0x6  }
0xff: {  	vm1 =	vmmov @!p1 $0xffff;
	s0 =	simm.s32 @!p1 $0x14000  }
0x100: {  	[spmem:s1] =	stream.indirect_vreg.scatter.add.f32 @!p1 [tilespmem:s0], [sflag:$0xA], $0x80, v1, vm1, $0xb8;
	[tilespmem:$0x1DC80] =	vst v63  }
0x101: {  	v1 =	vld @!p1 [tilespmem:s30+$0x100];
	_ =	sdelay $0x6  }
0x102: {  	s0 =	simm.s32 @!p1 $0x14800  }
0x103: {  	[spmem:s1] =	stream.indirect_vreg.scatter.add.f32 @!p1 [tilespmem:s0], [sflag:$0xA], $0x80, v1, vm1, $0xb8;
	[tilespmem:$0x1DC80] =	vst v63  }
0x104: {  	v1 =	vld @!p1 [tilespmem:s30+$0x110];
	_ =	sdelay $0x6  }
0x105: {  	s0 =	simm.s32 @!p1 $0x15000  }
0x106: {  	[spmem:s1] =	stream.indirect_vreg.scatter.add.f32 @!p1 [tilespmem:s0], [sflag:$0xA], $0x80, v1, vm1, $0xb8;
	[tilespmem:$0x1DC80] =	vst v63  }
0x107: {  	v1 =	vld @!p1 [tilespmem:s30+$0x120];
	_ =	sdelay $0x6  }
0x108: {  	s0 =	simm.s32 @!p1 $0x15800  }
0x109: {  	[spmem:s1] =	stream.indirect_vreg.scatter.add.f32 @!p1 [tilespmem:s0], [sflag:$0xA], $0x80, v1, vm1, $0xb8;
	[tilespmem:$0x1DC80] =	vst v63  }
0x10a: {  	v1 =	vld @!p1 [tilespmem:s30+$0x130];
	_ =	sdelay $0x6  }
0x10b: {  	s0 =	simm.s32 @!p1 $0x16000  }
0x10c: {  	[spmem:s1] =	stream.indirect_vreg.scatter.add.f32 @!p1 [tilespmem:s0], [sflag:$0xA], $0x80, v1, vm1, $0xb8;
	[tilespmem:$0x1DC80] =	vst v63  }
0x10d: {  	v1 =	vld @!p1 [tilespmem:s30+$0x140];
	_ =	sdelay $0x6  }
0x10e: {  	s0 =	simm.s32 @!p1 $0x16800  }
0x10f: {  	[spmem:s1] =	stream.indirect_vreg.scatter.add.f32 @!p1 [tilespmem:s0], [sflag:$0xA], $0x80, v1, vm1, $0xb8;
	[tilespmem:$0x1DC80] =	vst v63  }
0x110: {  	v1 =	vld @!p1 [tilespmem:s30+$0x150];
	_ =	sdelay $0x6  }
0x111: {  	s0 =	simm.s32 @!p1 $0x17000  }
0x112: {  	[spmem:s1] =	stream.indirect_vreg.scatter.add.f32 @!p1 [tilespmem:s0], [sflag:$0xA], $0x80, v1, vm1, $0xb8;
	[tilespmem:$0x1DC80] =	vst v63  }
0x113: {  	v1 =	vld @!p1 [tilespmem:s30+$0x160];
	_ =	sdelay $0x3  }
0x114: {  	s14 =	sshll.u32 s29, $0x2  }
0x115: {  	s0 =	sand.u32 $0xFFFFFE00, s14  }
0x116: {  	s0 =	sshra.s32 @!p1 s0, $0x2  }
0x117: {  	s2 =	simm.s32 @!p1 $0x17800;
	s0 =	sadd.s32 @!p1 s0, s28  }
0x118: {  	[spmem:s1] =	stream.indirect_vreg.scatter.add.f32 @!p1 [tilespmem:s2], [sflag:$0xA], $0x80, v1, vm1, $0xb8;
	[tilespmem:$0x1DC80] =	vst v63  }
0x119: {  	v1 =	vld @!p1 [tilespmem:s0+$0x0];
	_ =	sdelay $0x6  }
0x11a: {  	s0 =	simm.s32 @!p1 $0x18000  }
0x11b: {  	[spmem:s1] =	stream.indirect_vreg.scatter.add.f32 @!p1 [tilespmem:s0], [sflag:$0xA], $0x80, v1, vm1, $0xb8;
	[tilespmem:$0x1DC80] =	vst v63  }
0x11c: {  	v1 =	vld @!p1 [tilespmem:s30+$0x180];
	_ =	sdelay $0x6  }
0x11d: {  	s25 =	sadd.s32 $0x5, s25;
	s0 =	simm.s32 @!p1 $0x18800  }
0x11e: {  	[spmem:s1] =	stream.indirect_vreg.scatter.add.f32 @!p1 [tilespmem:s0], [sflag:$0xA], $0x80, v1, vm1, $0xb8;
	[tilespmem:$0x1DC80] =	vst v63  }
0x11f: {  	p1 =	sne.s32 s25, $0x1A  }
.Ltmp1:
0x120: {  	_ = 	snop;
	(pc) =	sbr.rel @p1 .LBB2_4-.Ltmp1, $3  }
0x121: {  	_ =	sdelay $0x1  }
0x122: {  	s29 =	sadd.s32 $0x320, s29;
	s26 =	sadd.s32 $0x320, s26  }
0x123: {  	s31 =	sadd.s32 $0x3200, s31;
	s28 =	sadd.s32 $0x20, s28;
	s30 =	sadd.s32 $0x320, s30  }
0x124: {  	_ =	swait.ge [sflag:s19], $0x5000  }
0x125: {  	[sflag:s19] =	ssyncset.done $0x0  }
0x126: {  	[sflag:s19] =	ssyncadd.s32 $0xFFFFB000  }
0x127: {  	_ =	swait.ge [sflag:s20], $0x5000  }
0x128: {  	[sflag:s20] =	ssyncset.done $0x0  }
0x129: {  	[sflag:s20] =	ssyncadd.s32 $0xFFFFB000  }
0x12a: {  	_ =	swait.ge [sflag:s21], $0x5000  }
0x12b: {  	[sflag:s21] =	ssyncset.done $0x0  }
0x12c: {  	[sflag:s21] =	ssyncadd.s32 $0xFFFFB000  }
0x12d: {  	_ =	swait.ge [sflag:s22], $0x5000  }
0x12e: {  	[sflag:s22] =	ssyncset.done $0x0  }
0x12f: {  	[sflag:s22] =	ssyncadd.s32 $0xFFFFB000  }
0x130: {  	s0 =	stileid.u32;
	_ =	swait.ge [sflag:s23], $0x5000  }
0x131: {  	s2 =	sshrl.u32 s9, $0x3;
	s24 =	sadd.s32 $0x1, s24;
	[sflag:s23] =	ssyncset.done $0x0  }
0x132: {  	s0 =	sshll.u32 s0, $0x6;
	p1 =	sne.s32 s24, s11;
	[sflag:s23] =	ssyncadd.s32 $0xFFFFB000  }
.Ltmp2:
0x133: {  	s0 =	sor.u32 $0x1C0C, s0;
	[bflag:$0x0] =	sbarrier.arrive $0xFFFF;
	(pc) =	sbr.rel @p1 .LBB2_1-.Ltmp2, $4  }
0x134: {  	[hbm:s10], [sflag:s0] =	dma.local [spmem:s2], $0x400  }
0x135: {  	_ =	swait.ge [sflag:s16], $0x400  }
0x136: {  	[sflag:s16] =	ssyncset.done $0x0  }
0x137: {  	[sflag:s16] =	ssyncadd.s32 $0xFFFFFC00  }
0x138: {  	_ =	sfence.sel $0x180000  }
0x139: {  	[bflag:$0x0] =	sbarrier.arrive $0xFFFF  }
0x13a: {  	_ =	strace $0x90000047  }
0x13b: {  	s0 =	stileid.u32;
	[bflag:$0x2] =	sbarrier.arrive $0xFFFF  }
0x13c: {  	p0 =	sne.s32 s0, $0x0;
	s0 =	rddreg [dreg:$0x4]  }
0x13d: {  	s0 =	sadd.s32 @!p0 $0x100000, s0  }
0x13e: {  	[sflag:s0] =	ssyncadd.tile.s32 @!p0 $0x1;
	_ =	shalt  }
.Lfunc_end2:
_tile_overlayer_lowered:
.L_overlay_start_2:
0x13f: {  	(tag) =	ssettag $0x2  }
0x140: {  	s0 =	rddreg [dreg:$0x0];
	s2 =	stileid.u32  }
0x141: {  	s1 =	rddreg [dreg:$0x1];
	p0 =	sne.s32 s2, $0x0  }
0x142: {  	s3 =	rddreg [dreg:$0x2];
	[bflag:$0x3] =	sbarrier.arrive $0xFFFF;
	s2 =	simm.s32 @!p0 $0x1C0C  }
0x143: {  	[timem:s3], [sflag:s2] =	dma.local @!p0 [hbm:s0], s1  }
0x144: {  	s0 =	simm.s32 @!p0 $0xC  }
0x145: {  	_ =	swait.ge @!p0 [sflag:s0], s1  }
0x146: {  	s1 =	ssub.s32 @!p0 $0x0, s1;
	[sflag:s0] =	ssyncset.done @!p0 $0x0  }
0x147: {  	[sflag:s0] =	ssyncadd.s32 @!p0 s1  }
0x148: {  	[bflag:$0x3] =	sbarrier.arrive $0xFFFF  }
0x149: {  	_ =	shalt  }

</sc_bundles>
